<compile_context>
chip_gen: v7x
topology: tpu7x:2x2x1
jax: 0.10.2.dev20260603
libtpu: 0.0.44.dev20260713+nightly
codegen_flags: <defaults>
</compile_context>

<pallas_src>
import functools

import jax
import jax.numpy as jnp
from jax import lax
from jax.experimental import pallas as pl
from jax.experimental.pallas import tpu as pltpu
from jax.experimental.pallas import tpu_sc as plsc

NUM_ITEMS = 100000
N_TAGS = 20
EMBED_DIM = 32
BATCH = 16384
LANES = 16
NDUMMY = 512
TAB_ROWS = NUM_ITEMS + NDUMMY

_MESH = plsc.VectorSubcoreMesh(core_axis_name="c", subcore_axis_name="s")
NW = _MESH.num_cores * _MESH.num_subcores
PER_WORKER = BATCH // NW
CHUNK = LANES
NCHUNKS = PER_WORKER // CHUNK
NFLAT = CHUNK * N_TAGS
GSLICES = ((0, 128), (128, 128), (256, 64))


@functools.partial(
    pl.kernel,
    out_type=jax.ShapeDtypeStruct((BATCH,), jnp.float32),
    mesh=_MESH,
    compiler_params=pltpu.CompilerParams(needs_layout_passes=False),
    scratch_types=dict(
        tid_v=pltpu.VMEM((PER_WORKER,), jnp.int32),
        cid_v=pltpu.VMEM((PER_WORKER,), jnp.int32),
        tg=pltpu.VMEM((PER_WORKER,), jnp.int32),
        tq=pltpu.VMEM((PER_WORKER,), jnp.int32),
        cg=pltpu.VMEM((PER_WORKER,), jnp.int32),
        cq=pltpu.VMEM((PER_WORKER,), jnp.int32),
        scomb0=pltpu.VMEM((CHUNK, 128), jnp.int32),
        scomb1=pltpu.VMEM((CHUNK, 128), jnp.int32),
        midx0=pltpu.VMEM((NFLAT,), jnp.int32),
        midx1=pltpu.VMEM((NFLAT,), jnp.int32),
        emb0=pltpu.VMEM((NFLAT, 128), jnp.float32),
        emb1=pltpu.VMEM((NFLAT, 128), jnp.float32),
        temb=pltpu.VMEM((CHUNK, EMBED_DIM), jnp.float32),
        cemb=pltpu.VMEM((CHUNK, EMBED_DIM), jnp.float32),
        dots=pltpu.VMEM((PER_WORKER,), jnp.float32),
        sems0=pltpu.SemaphoreType.DMA,
        sems1=pltpu.SemaphoreType.DMA,
        seme0=pltpu.SemaphoreType.DMA,
        seme1=pltpu.SemaphoreType.DMA,
    ),
)
def _sc_kernel(targets_hbm, contexts_hbm, side128_hbm, table_hbm, out_hbm, *,
               tid_v, cid_v, tg, tq, cg, cq, scomb0, scomb1, midx0, midx1,
               emb0, emb1, temb, cemb, dots, sems0, sems1, seme0, seme1):
    wid = lax.axis_index("s") * _MESH.num_cores + lax.axis_index("c")
    wbase = wid * PER_WORKER
    iota = lax.iota(jnp.int32, LANES)
    i20 = iota * N_TAGS

    gq = ((tg, tq), (cg, cq))
    scomb = (scomb0, scomb1)
    midx = (midx0, midx1)
    emb = (emb0, emb1)
    sems = (sems0, sems1)
    seme = (seme0, seme1)
    pooled = (temb, cemb)

    pltpu.sync_copy(targets_hbm.at[pl.ds(wbase, PER_WORKER)], tid_v)
    pltpu.sync_copy(contexts_hbm.at[pl.ds(wbase, PER_WORKER)], cid_v)

    def gq_body(v, _):
        sl = pl.ds(v * LANES, LANES)
        ids = tid_v[sl]
        tg[sl] = lax.shift_right_logical(ids, 2)
        tq[sl] = lax.shift_left(jnp.bitwise_and(ids, 3), 5)
        ids = cid_v[sl]
        cg[sl] = lax.shift_right_logical(ids, 2)
        cq[sl] = lax.shift_left(jnp.bitwise_and(ids, 3), 5)
        return _

    lax.fori_loop(0, PER_WORKER // LANES, gq_body, None)

    def issue_side(side, coff):
        return pltpu.async_copy(
            side128_hbm.at[gq[side][0].at[pl.ds(coff, CHUNK)]],
            scomb[side], sems[side])

    def wait_side(side):
        pltpu.make_async_copy(
            side128_hbm.at[pl.ds(0, CHUNK)], scomb[side], sems[side]).wait()

    def flatten_issue_emb(side, coff):
        qv = gq[side][1][pl.ds(coff, LANES)]

        def fb(x, _):
            w = plsc.load_gather(scomb[side], [iota, qv + x])
            plsc.store_scatter(midx[side], [i20 + x], w)
            return _

        lax.fori_loop(0, N_TAGS, fb, None)
        for o, n in GSLICES:
            pltpu.async_copy(table_hbm.at[midx[side].at[pl.ds(o, n)]],
                             emb[side].at[pl.ds(o, n)], seme[side])

    def wait_emb(side):
        pltpu.make_async_copy(
            table_hbm.at[pl.ds(0, NFLAT)], emb[side], seme[side]).wait()

    def acc(side):
        e_buf = emb[side]
        out_emb = pooled[side]

        def ab(r, _):
            kb = r * N_TAGS
            e0 = e_buf[kb, pl.ds(0, LANES)]
            e1 = e_buf[kb, pl.ds(LANES, LANES)]
            for x in range(1, N_TAGS):
                e0 = e0 + e_buf[kb + x, pl.ds(0, LANES)]
                e1 = e1 + e_buf[kb + x, pl.ds(LANES, LANES)]
            out_emb[r, pl.ds(0, LANES)] = e0
            out_emb[r, pl.ds(LANES, LANES)] = e1
            return _

        lax.fori_loop(0, CHUNK, ab, None)

    def dot(coff):
        def db(d, dacc):
            dv = jnp.full((LANES,), d, jnp.int32)
            tv = plsc.load_gather(temb, [iota, dv])
            cv = plsc.load_gather(cemb, [iota, dv])
            return dacc + tv * cv

        dots[pl.ds(coff, CHUNK)] = lax.fori_loop(
            0, EMBED_DIM, db, jnp.zeros((LANES,), jnp.float32))

    issue_side(0, 0).wait()
    issue_side(1, 0)
    flatten_issue_emb(0, 0)

    def chunk_body(g, _):
        coff = g * CHUNK
        noff = coff + CHUNK
        issue_side(0, noff)
        wait_side(1)
        flatten_issue_emb(1, coff)
        wait_emb(0)
        acc(0)
        issue_side(1, noff)
        wait_side(0)
        flatten_issue_emb(0, noff)
        wait_emb(1)
        acc(1)
        dot(coff)
        return _

    lax.fori_loop(0, NCHUNKS - 1, chunk_body, None)

    foff = (NCHUNKS - 1) * CHUNK
    wait_side(1)
    flatten_issue_emb(1, foff)
    wait_emb(0)
    acc(0)
    wait_emb(1)
    acc(1)
    dot(foff)
    pltpu.sync_copy(dots, out_hbm.at[pl.ds(wbase, PER_WORKER)])


def kernel(targets, contexts, side_info_indices_tensor, side_info_indices_mask,
           embedding_table):
    flat_pos = jnp.arange(NUM_ITEMS * N_TAGS, dtype=jnp.int32)
    flat_pos = flat_pos.reshape(NUM_ITEMS, N_TAGS)
    dummy = NUM_ITEMS + jnp.bitwise_and(flat_pos, NDUMMY - 1)
    midx = jnp.where(side_info_indices_mask > 0.0,
                     side_info_indices_tensor, dummy)
    pad_pos = jnp.arange(NUM_ITEMS * (32 - N_TAGS), dtype=jnp.int32)
    pad_pos = pad_pos.reshape(NUM_ITEMS, 32 - N_TAGS)
    pad = NUM_ITEMS + jnp.bitwise_and(pad_pos, NDUMMY - 1)
    side128 = jnp.concatenate([midx, pad], axis=1).reshape(NUM_ITEMS // 4, 128)
    table_pad = jnp.zeros((TAB_ROWS, 128), jnp.float32)
    table_pad = lax.dynamic_update_slice(
        table_pad, embedding_table, (0, 0))
    return _sc_kernel(targets, contexts, side128, table_pad)

# --- scband reference (transcript-rebuilt; emitter-appended) ---
"""Pipeline reference for scband-side-info-embedding-41747082117486 (READ-ONLY COPY).

The authoritative reference and input builder live on the scoring server;
editing this copy changes nothing except your own understanding.
"""

import jax, jax.numpy as jnp
import numpy as np

NUM_ITEMS = 100000
N_TAGS = 20
SIDE_INFO_SIZE = 100000
EMBED_DIM = 32
BATCH = 16384


def setup_inputs(seed: int = 0) -> dict:
    key = jax.random.key(seed)
    k1, k2, k3, k4, k5 = jax.random.split(key, 5)
    targets = jax.random.randint(k1, (BATCH,), 0, NUM_ITEMS, dtype=jnp.int64 if jax.config.jax_enable_x64 else jnp.int32)
    contexts = jax.random.randint(k2, (BATCH,), 0, NUM_ITEMS, dtype=jnp.int64 if jax.config.jax_enable_x64 else jnp.int32)
    side_info_indices_tensor = jax.random.randint(k3, (NUM_ITEMS, N_TAGS), 0, SIDE_INFO_SIZE, dtype=jnp.int64 if jax.config.jax_enable_x64 else jnp.int32)
    side_info_indices_mask = jax.random.randint(k4, (NUM_ITEMS, N_TAGS), 0, 2).astype(jnp.float32)
    embedding_table = jax.random.normal(k5, (SIDE_INFO_SIZE, EMBED_DIM), dtype=jnp.float32) * 0.05
    return {
        "targets": targets,
        "contexts": contexts,
        "side_info_indices_tensor": side_info_indices_tensor,
        "side_info_indices_mask": side_info_indices_mask,
        "embedding_table": embedding_table,
    }


def reference(targets, contexts, side_info_indices_tensor, side_info_indices_mask, embedding_table):
    # gather per-item tag ids and masks
    targets_side_info_idx = jnp.take(side_info_indices_tensor, targets, axis=0)      # [B, x]
    contexts_side_info_idx = jnp.take(side_info_indices_tensor, contexts, axis=0)    # [B, x]
    targets_side_info_mask = jnp.take(side_info_indices_mask, targets, axis=0)       # [B, x]
    contexts_side_info_mask = jnp.take(side_info_indices_mask, contexts, axis=0)     # [B, x]
    # embedding lookups
    targets_embedding = jnp.take(embedding_table, targets_side_info_idx, axis=0)     # [B, x, y]
    contexts_embedding = jnp.take(embedding_table, contexts_side_info_idx, axis=0)   # [B, x, y]
    # mask and sum over tags
    masked_targets_embedding = jnp.einsum('bxy,bx->bxy', targets_embedding, targets_side_info_mask)
    masked_contexts_embedding = jnp.einsum('bxy,bx->bxy', contexts_embedding, contexts_side_info_mask)
    targets_item_embedding = jnp.sum(masked_targets_embedding, axis=1)               # [B, y]
    contexts_item_embedding = jnp.sum(masked_contexts_embedding, axis=1)             # [B, y]
    dots = jnp.einsum('be,be->b', targets_item_embedding, contexts_item_embedding)   # [B]
    return dots

if __name__ == "__main__":
    import jax
    _d = setup_inputs()
    print(jax.jit(kernel)(*tuple(_d.values())))

</pallas_src>

<mosaic_0001>
#map = affine_map<(d0, d1) -> (0)>
#map1 = affine_map<(d0, d1) -> (0, 0)>
module attributes {stable_mosaic.version = 14 : i64} {
  func.func @_sc_kernel(%arg0: i32, %arg1: i32, %arg2: memref<16384xi32, #tpu.memory_space<hbm>>, %arg3: memref<16384xi32, #tpu.memory_space<hbm>>, %arg4: memref<25000x128xi32, #tpu.memory_space<hbm>>, %arg5: memref<100512x128xf32, #tpu.memory_space<hbm>>, %arg6: memref<16384xf32, #tpu.memory_space<hbm>>, %arg7: memref<16x32xf32, #tpu.memory_space<vmem>>, %arg8: memref<512xi32, #tpu.memory_space<vmem>>, %arg9: memref<512xi32, #tpu.memory_space<vmem>>, %arg10: memref<512xi32, #tpu.memory_space<vmem>>, %arg11: memref<512xf32, #tpu.memory_space<vmem>>, %arg12: memref<320x128xf32, #tpu.memory_space<vmem>>, %arg13: memref<320x128xf32, #tpu.memory_space<vmem>>, %arg14: memref<320xi32, #tpu.memory_space<vmem>>, %arg15: memref<320xi32, #tpu.memory_space<vmem>>, %arg16: memref<16x128xi32, #tpu.memory_space<vmem>>, %arg17: memref<16x128xi32, #tpu.memory_space<vmem>>, %arg18: memref<!tpu.dma_semaphore, #tpu.memory_space<semaphore_mem>>, %arg19: memref<!tpu.dma_semaphore, #tpu.memory_space<semaphore_mem>>, %arg20: memref<!tpu.dma_semaphore, #tpu.memory_space<semaphore_mem>>, %arg21: memref<!tpu.dma_semaphore, #tpu.memory_space<semaphore_mem>>, %arg22: memref<16x32xf32, #tpu.memory_space<vmem>>, %arg23: memref<512xi32, #tpu.memory_space<vmem>>, %arg24: memref<512xi32, #tpu.memory_space<vmem>>, %arg25: memref<512xi32, #tpu.memory_space<vmem>>) attributes {dimension_semantics = [#tpu.dimension_semantics<core_parallel>, #tpu.dimension_semantics<subcore_parallel>], iteration_bounds = array<i64: 2, 16>, scalar_prefetch = 0 : i64, scratch_operands = 19 : i64, tpu.core_type = #tpu.core_type<sc_vector_subcore>, window_params = [{transform_indices = #map}, {transform_indices = #map}, {transform_indices = #map1}, {transform_indices = #map1}, {transform_indices = #map}]} {
    %mul3A = arith.constant 2 : i32
    %mul3A_0 = arith.muli %arg1, %mul3A : i32
    %add3A = arith.addi %mul3A_0, %arg0 : i32
    %mul3A_1 = arith.constant 512 : i32
    %mul3A_2 = arith.muli %add3A, %mul3A_1 : i32
    %iota3A = tpu.iota {dimensions = array<i32: 0>} : vector<16xi32>
    %mul3A_3 = arith.constant 20 : i32
    %mul3A_4 = vector.broadcast %mul3A_3 : i32 to vector<16xi32>
    %mul3A_5 = arith.muli %iota3A, %mul3A_4 : vector<16xi32>
    "tpu.region"() ({
      %run_scoped3A = tpu.sem_alloc : memref<!tpu.dma_semaphore, #tpu.memory_space<semaphore_mem>>
      %dma_start3A_125 = tpu.memref_slice %arg2[%mul3A_2] : memref<16384xi32, #tpu.memory_space<hbm>> -> memref<512xi32, #tpu.memory_space<hbm>>
      %dma_start3A_126 = tpu.memref_slice %arg2[%mul3A_2] : memref<16384xi32, #tpu.memory_space<hbm>> -> memref<512xi32, #tpu.memory_space<hbm>>
      tpu.enqueue_dma source(%dma_start3A_126 : memref<512xi32, #tpu.memory_space<hbm>>) target(%arg24 : memref<512xi32, #tpu.memory_space<vmem>>) target_semaphore(%run_scoped3A : memref<!tpu.dma_semaphore, #tpu.memory_space<semaphore_mem>>)
      %dma_wait3A_127 = tpu.memref_slice %arg2[%mul3A_2] : memref<16384xi32, #tpu.memory_space<hbm>> -> memref<512xi32, #tpu.memory_space<hbm>>
      %dma_wait3A_128 = tpu.memref_slice %arg2[%mul3A_2] : memref<16384xi32, #tpu.memory_space<hbm>> -> memref<512xi32, #tpu.memory_space<hbm>>
      tpu.wait_dma2 semaphore(%run_scoped3A : memref<!tpu.dma_semaphore, #tpu.memory_space<semaphore_mem>>) src(%dma_wait3A_128 : memref<512xi32, #tpu.memory_space<hbm>>) dst(%arg24 : memref<512xi32, #tpu.memory_space<vmem>>)
      tpu.yield
    }) : () -> ()
    "tpu.region"() ({
      %run_scoped3A = tpu.sem_alloc : memref<!tpu.dma_semaphore, #tpu.memory_space<semaphore_mem>>
      %dma_start3A_125 = tpu.memref_slice %arg3[%mul3A_2] : memref<16384xi32, #tpu.memory_space<hbm>> -> memref<512xi32, #tpu.memory_space<hbm>>
      %dma_start3A_126 = tpu.memref_slice %arg3[%mul3A_2] : memref<16384xi32, #tpu.memory_space<hbm>> -> memref<512xi32, #tpu.memory_space<hbm>>
      tpu.enqueue_dma source(%dma_start3A_126 : memref<512xi32, #tpu.memory_space<hbm>>) target(%arg9 : memref<512xi32, #tpu.memory_space<vmem>>) target_semaphore(%run_scoped3A : memref<!tpu.dma_semaphore, #tpu.memory_space<semaphore_mem>>)
      %dma_wait3A_127 = tpu.memref_slice %arg3[%mul3A_2] : memref<16384xi32, #tpu.memory_space<hbm>> -> memref<512xi32, #tpu.memory_space<hbm>>
      %dma_wait3A_128 = tpu.memref_slice %arg3[%mul3A_2] : memref<16384xi32, #tpu.memory_space<hbm>> -> memref<512xi32, #tpu.memory_space<hbm>>
      tpu.wait_dma2 semaphore(%run_scoped3A : memref<!tpu.dma_semaphore, #tpu.memory_space<semaphore_mem>>) src(%dma_wait3A_128 : memref<512xi32, #tpu.memory_space<hbm>>) dst(%arg9 : memref<512xi32, #tpu.memory_space<vmem>>)
      tpu.yield
    }) : () -> ()
    %scan3A = arith.constant 0 : i32
    %scan3A_6 = arith.constant 32 : i32
    %scan3A_7 = arith.addi %scan3A, %scan3A_6 : i32
    %scan3A_8 = arith.constant 1 : i32
    scf.for %scan3A_125 = %scan3A to %scan3A_7 step %scan3A_8  : i32 {
      %mul3A_126 = arith.constant 16 : i32
      %mul3A_127 = arith.muli %scan3A_125, %mul3A_126 : i32
      %get3A_128 = arith.index_cast %mul3A_127 : i32 to index
      %get3A_129 = tpu.vector_load %arg24[%get3A_128] {strides = array<i32>} : memref<512xi32, #tpu.memory_space<vmem>>, vector<16xi32>,
      %shift_right_logical3A = arith.constant 2 : i32
      %shift_right_logical3A_130 = vector.broadcast %shift_right_logical3A : i32 to vector<16xi32>
      %shift_right_logical3A_131 = arith.shrui %get3A_129, %shift_right_logical3A_130 : vector<16xi32>
      %swap3A_132 = arith.index_cast %mul3A_127 : i32 to index
      %swap3A_133 = tpu.vector_load %arg23[%swap3A_132] {strides = array<i32>} : memref<512xi32, #tpu.memory_space<vmem>>, vector<16xi32>,
      tpu.vector_store %arg23[%swap3A_132], %shift_right_logical3A_131 {strides = array<i32>} : memref<512xi32, #tpu.memory_space<vmem>>, vector<16xi32>,
      %and3A = arith.constant 3 : i32
      %and3A_134 = vector.broadcast %and3A : i32 to vector<16xi32>
      %and3A_135 = arith.andi %get3A_129, %and3A_134 : vector<16xi32>
      %shift_left3A = arith.constant 5 : i32
      %shift_left3A_136 = vector.broadcast %shift_left3A : i32 to vector<16xi32>
      %shift_left3A_137 = arith.shli %and3A_135, %shift_left3A_136 : vector<16xi32>
      %swap3A_138 = arith.index_cast %mul3A_127 : i32 to index
      %swap3A_139 = tpu.vector_load %arg25[%swap3A_138] {strides = array<i32>} : memref<512xi32, #tpu.memory_space<vmem>>, vector<16xi32>,
      tpu.vector_store %arg25[%swap3A_138], %shift_left3A_137 {strides = array<i32>} : memref<512xi32, #tpu.memory_space<vmem>>, vector<16xi32>,
      %get3A_140 = arith.index_cast %mul3A_127 : i32 to index
      %get3A_141 = tpu.vector_load %arg9[%get3A_140] {strides = array<i32>} : memref<512xi32, #tpu.memory_space<vmem>>, vector<16xi32>,
      %shift_right_logical3A_142 = arith.constant 2 : i32
      %shift_right_logical3A_143 = vector.broadcast %shift_right_logical3A_142 : i32 to vector<16xi32>
      %shift_right_logical3A_144 = arith.shrui %get3A_141, %shift_right_logical3A_143 : vector<16xi32>
      %swap3A_145 = arith.index_cast %mul3A_127 : i32 to index
      %swap3A_146 = tpu.vector_load %arg8[%swap3A_145] {strides = array<i32>} : memref<512xi32, #tpu.memory_space<vmem>>, vector<16xi32>,
      tpu.vector_store %arg8[%swap3A_145], %shift_right_logical3A_144 {strides = array<i32>} : memref<512xi32, #tpu.memory_space<vmem>>, vector<16xi32>,
      %and3A_147 = arith.constant 3 : i32
      %and3A_148 = vector.broadcast %and3A_147 : i32 to vector<16xi32>
      %and3A_149 = arith.andi %get3A_141, %and3A_148 : vector<16xi32>
      %shift_left3A_150 = arith.constant 5 : i32
      %shift_left3A_151 = vector.broadcast %shift_left3A_150 : i32 to vector<16xi32>
      %shift_left3A_152 = arith.shli %and3A_149, %shift_left3A_151 : vector<16xi32>
      %swap3A_153 = arith.index_cast %mul3A_127 : i32 to index
      %swap3A_154 = tpu.vector_load %arg10[%swap3A_153] {strides = array<i32>} : memref<512xi32, #tpu.memory_space<vmem>>, vector<16xi32>,
      tpu.vector_store %arg10[%swap3A_153], %shift_left3A_152 {strides = array<i32>} : memref<512xi32, #tpu.memory_space<vmem>>, vector<16xi32>,
    }
    %scan3A_9 = arith.constant 32 : i32
    %dma_start3A = arith.constant 0 : i32
    %dma_start3A_10 = tpu.memref_slice %arg23[%dma_start3A] : memref<512xi32, #tpu.memory_space<vmem>> -> memref<16xi32, #tpu.memory_space<vmem>>
    %dma_start3A_11 = arith.constant 0 : i32
    %dma_start3A_12 = arith.constant 0 : i32
    %dma_start3A_13 = tpu.memref_slice %arg4[%dma_start3A_11, %dma_start3A_12] : memref<25000x128xi32, #tpu.memory_space<hbm>> -> memref<25000x128xi32, #tpu.memory_space<hbm>>
    tpu.enqueue_indirect_dma source(%dma_start3A_13 : memref<25000x128xi32, #tpu.memory_space<hbm>>) target(%arg16 : memref<16x128xi32, #tpu.memory_space<vmem>>) offsets(%dma_start3A_10 : memref<16xi32, #tpu.memory_space<vmem>>) semaphore(%arg20 : memref<!tpu.dma_semaphore, #tpu.memory_space<semaphore_mem>>)
    %dma_wait3A = arith.constant 0 : i32
    %dma_wait3A_14 = tpu.memref_slice %arg23[%dma_wait3A] : memref<512xi32, #tpu.memory_space<vmem>> -> memref<16xi32, #tpu.memory_space<vmem>>
    %dma_wait3A_15 = arith.constant 0 : i32
    %dma_wait3A_16 = arith.constant 0 : i32
    %dma_wait3A_17 = tpu.memref_slice %arg4[%dma_wait3A_15, %dma_wait3A_16] : memref<25000x128xi32, #tpu.memory_space<hbm>> -> memref<25000x128xi32, #tpu.memory_space<hbm>>
    tpu.wait_indirect_dma semaphore(%arg20 : memref<!tpu.dma_semaphore, #tpu.memory_space<semaphore_mem>>) src(%dma_wait3A_17 : memref<25000x128xi32, #tpu.memory_space<hbm>>) dst(%arg16 : memref<16x128xi32, #tpu.memory_space<vmem>>)
    %dma_start3A_18 = arith.constant 0 : i32
    %dma_start3A_19 = tpu.memref_slice %arg8[%dma_start3A_18] : memref<512xi32, #tpu.memory_space<vmem>> -> memref<16xi32, #tpu.memory_space<vmem>>
    %dma_start3A_20 = arith.constant 0 : i32
    %dma_start3A_21 = arith.constant 0 : i32
    %dma_start3A_22 = tpu.memref_slice %arg4[%dma_start3A_20, %dma_start3A_21] : memref<25000x128xi32, #tpu.memory_space<hbm>> -> memref<25000x128xi32, #tpu.memory_space<hbm>>
    tpu.enqueue_indirect_dma source(%dma_start3A_22 : memref<25000x128xi32, #tpu.memory_space<hbm>>) target(%arg17 : memref<16x128xi32, #tpu.memory_space<vmem>>) offsets(%dma_start3A_19 : memref<16xi32, #tpu.memory_space<vmem>>) semaphore(%arg21 : memref<!tpu.dma_semaphore, #tpu.memory_space<semaphore_mem>>)
    %get3A = arith.constant 0 : index
    %get3A_23 = tpu.vector_load %arg25[%get3A] {strides = array<i32>} : memref<512xi32, #tpu.memory_space<vmem>>, vector<16xi32>,
    %scan3A_24 = arith.constant 0 : i32
    %scan3A_25 = arith.constant 20 : i32
    %scan3A_26 = arith.addi %scan3A_24, %scan3A_25 : i32
    %scan3A_27 = arith.constant 1 : i32
    scf.for %scan3A_125 = %scan3A_24 to %scan3A_26 step %scan3A_27  : i32 {
      %add3A_126 = vector.broadcast %scan3A_125 : i32 to vector<16xi32>
      %add3A_127 = arith.addi %get3A_23, %add3A_126 : vector<16xi32>
      %gather3A = tpu.vector_load_idx %arg16[%iota3A, %add3A_127] : memref<16x128xi32, #tpu.memory_space<vmem>>[vector<16xi32>, vector<16xi32>], vector<16xi32>,
      %add3A_128 = vector.broadcast %scan3A_125 : i32 to vector<16xi32>
      %add3A_129 = arith.addi %mul3A_5, %add3A_128 : vector<16xi32>
      tpu.vector_store_idx %arg14[%add3A_129], %gather3A : memref<320xi32, #tpu.memory_space<vmem>>[vector<16xi32>], vector<16xi32>,
    }
    %scan3A_28 = arith.constant 20 : i32
    %dma_start3A_29 = arith.constant 0 : i32
    %dma_start3A_30 = arith.constant 0 : i32
    %dma_start3A_31 = tpu.memref_slice %arg12[%dma_start3A_29, %dma_start3A_30] : memref<320x128xf32, #tpu.memory_space<vmem>> -> memref<128x128xf32, #tpu.memory_space<vmem>>
    %dma_start3A_32 = arith.constant 0 : i32
    %dma_start3A_33 = tpu.memref_slice %arg14[%dma_start3A_32] : memref<320xi32, #tpu.memory_space<vmem>> -> memref<128xi32, #tpu.memory_space<vmem>>
    %dma_start3A_34 = arith.constant 0 : i32
    %dma_start3A_35 = arith.constant 0 : i32
    %dma_start3A_36 = tpu.memref_slice %arg5[%dma_start3A_34, %dma_start3A_35] : memref<100512x128xf32, #tpu.memory_space<hbm>> -> memref<100512x128xf32, #tpu.memory_space<hbm>>
    tpu.enqueue_indirect_dma source(%dma_start3A_36 : memref<100512x128xf32, #tpu.memory_space<hbm>>) target(%dma_start3A_31 : memref<128x128xf32, #tpu.memory_space<vmem>>) offsets(%dma_start3A_33 : memref<128xi32, #tpu.memory_space<vmem>>) semaphore(%arg18 : memref<!tpu.dma_semaphore, #tpu.memory_space<semaphore_mem>>)
    %dma_start3A_37 = arith.constant 128 : i32
    %dma_start3A_38 = arith.constant 0 : i32
    %dma_start3A_39 = tpu.memref_slice %arg12[%dma_start3A_37, %dma_start3A_38] : memref<320x128xf32, #tpu.memory_space<vmem>> -> memref<128x128xf32, #tpu.memory_space<vmem>>
    %dma_start3A_40 = arith.constant 128 : i32
    %dma_start3A_41 = tpu.memref_slice %arg14[%dma_start3A_40] : memref<320xi32, #tpu.memory_space<vmem>> -> memref<128xi32, #tpu.memory_space<vmem>>
    %dma_start3A_42 = arith.constant 0 : i32
    %dma_start3A_43 = arith.constant 0 : i32
    %dma_start3A_44 = tpu.memref_slice %arg5[%dma_start3A_42, %dma_start3A_43] : memref<100512x128xf32, #tpu.memory_space<hbm>> -> memref<100512x128xf32, #tpu.memory_space<hbm>>
    tpu.enqueue_indirect_dma source(%dma_start3A_44 : memref<100512x128xf32, #tpu.memory_space<hbm>>) target(%dma_start3A_39 : memref<128x128xf32, #tpu.memory_space<vmem>>) offsets(%dma_start3A_41 : memref<128xi32, #tpu.memory_space<vmem>>) semaphore(%arg18 : memref<!tpu.dma_semaphore, #tpu.memory_space<semaphore_mem>>)
    %dma_start3A_45 = arith.constant 256 : i32
    %dma_start3A_46 = arith.constant 0 : i32
    %dma_start3A_47 = tpu.memref_slice %arg12[%dma_start3A_45, %dma_start3A_46] : memref<320x128xf32, #tpu.memory_space<vmem>> -> memref<64x128xf32, #tpu.memory_space<vmem>>
    %dma_start3A_48 = arith.constant 256 : i32
    %dma_start3A_49 = tpu.memref_slice %arg14[%dma_start3A_48] : memref<320xi32, #tpu.memory_space<vmem>> -> memref<64xi32, #tpu.memory_space<vmem>>
    %dma_start3A_50 = arith.constant 0 : i32
    %dma_start3A_51 = arith.constant 0 : i32
    %dma_start3A_52 = tpu.memref_slice %arg5[%dma_start3A_50, %dma_start3A_51] : memref<100512x128xf32, #tpu.memory_space<hbm>> -> memref<100512x128xf32, #tpu.memory_space<hbm>>
    tpu.enqueue_indirect_dma source(%dma_start3A_52 : memref<100512x128xf32, #tpu.memory_space<hbm>>) target(%dma_start3A_47 : memref<64x128xf32, #tpu.memory_space<vmem>>) offsets(%dma_start3A_49 : memref<64xi32, #tpu.memory_space<vmem>>) semaphore(%arg18 : memref<!tpu.dma_semaphore, #tpu.memory_space<semaphore_mem>>)
    %scan3A_53 = arith.constant 0 : i32
    %scan3A_54 = arith.constant 31 : i32
    %scan3A_55 = arith.addi %scan3A_53, %scan3A_54 : i32
    %scan3A_56 = arith.constant 1 : i32
    scf.for %scan3A_125 = %scan3A_53 to %scan3A_55 step %scan3A_56  : i32 {
      %mul3A_126 = arith.constant 16 : i32
      %mul3A_127 = arith.muli %scan3A_125, %mul3A_126 : i32
      %add3A_128 = arith.constant 16 : i32
      %add3A_129 = arith.addi %mul3A_127, %add3A_128 : i32
      %dma_start3A_130 = tpu.memref_slice %arg23[%add3A_129] : memref<512xi32, #tpu.memory_space<vmem>> -> memref<16xi32, #tpu.memory_space<vmem>>
      %dma_start3A_131 = arith.constant 0 : i32
      %dma_start3A_132 = arith.constant 0 : i32
      %dma_start3A_133 = tpu.memref_slice %arg4[%dma_start3A_131, %dma_start3A_132] : memref<25000x128xi32, #tpu.memory_space<hbm>> -> memref<25000x128xi32, #tpu.memory_space<hbm>>
      tpu.enqueue_indirect_dma source(%dma_start3A_133 : memref<25000x128xi32, #tpu.memory_space<hbm>>) target(%arg16 : memref<16x128xi32, #tpu.memory_space<vmem>>) offsets(%dma_start3A_130 : memref<16xi32, #tpu.memory_space<vmem>>) semaphore(%arg20 : memref<!tpu.dma_semaphore, #tpu.memory_space<semaphore_mem>>)
      %dma_wait3A_134 = arith.constant 0 : i32
      %dma_wait3A_135 = arith.constant 0 : i32
      %dma_wait3A_136 = tpu.memref_slice %arg4[%dma_wait3A_134, %dma_wait3A_135] : memref<25000x128xi32, #tpu.memory_space<hbm>> -> memref<16x128xi32, #tpu.memory_space<hbm>>
      %dma_wait3A_137 = arith.constant 0 : i32
      %dma_wait3A_138 = arith.constant 0 : i32
      %dma_wait3A_139 = tpu.memref_slice %arg4[%dma_wait3A_137, %dma_wait3A_138] : memref<25000x128xi32, #tpu.memory_space<hbm>> -> memref<16x128xi32, #tpu.memory_space<hbm>>
      tpu.wait_dma2 semaphore(%arg21 : memref<!tpu.dma_semaphore, #tpu.memory_space<semaphore_mem>>) src(%dma_wait3A_139 : memref<16x128xi32, #tpu.memory_space<hbm>>) dst(%arg17 : memref<16x128xi32, #tpu.memory_space<vmem>>)
      %get3A_140 = arith.index_cast %mul3A_127 : i32 to index
      %get3A_141 = tpu.vector_load %arg10[%get3A_140] {strides = array<i32>} : memref<512xi32, #tpu.memory_space<vmem>>, vector<16xi32>,
      %scan3A_142 = arith.constant 0 : i32
      %scan3A_143 = arith.constant 20 : i32
      %scan3A_144 = arith.addi %scan3A_142, %scan3A_143 : i32
      %scan3A_145 = arith.constant 1 : i32
      scf.for %scan3A_244 = %scan3A_142 to %scan3A_144 step %scan3A_145  : i32 {
        %add3A_245 = vector.broadcast %scan3A_244 : i32 to vector<16xi32>
        %add3A_246 = arith.addi %get3A_141, %add3A_245 : vector<16xi32>
        %gather3A = tpu.vector_load_idx %arg17[%iota3A, %add3A_246] : memref<16x128xi32, #tpu.memory_space<vmem>>[vector<16xi32>, vector<16xi32>], vector<16xi32>,
        %add3A_247 = vector.broadcast %scan3A_244 : i32 to vector<16xi32>
        %add3A_248 = arith.addi %mul3A_5, %add3A_247 : vector<16xi32>
        tpu.vector_store_idx %arg15[%add3A_248], %gather3A : memref<320xi32, #tpu.memory_space<vmem>>[vector<16xi32>], vector<16xi32>,
      }
      %scan3A_146 = arith.constant 20 : i32
      %dma_start3A_147 = arith.constant 0 : i32
      %dma_start3A_148 = arith.constant 0 : i32
      %dma_start3A_149 = tpu.memref_slice %arg13[%dma_start3A_147, %dma_start3A_148] : memref<320x128xf32, #tpu.memory_space<vmem>> -> memref<128x128xf32, #tpu.memory_space<vmem>>
      %dma_start3A_150 = arith.constant 0 : i32
      %dma_start3A_151 = tpu.memref_slice %arg15[%dma_start3A_150] : memref<320xi32, #tpu.memory_space<vmem>> -> memref<128xi32, #tpu.memory_space<vmem>>
      %dma_start3A_152 = arith.constant 0 : i32
      %dma_start3A_153 = arith.constant 0 : i32
      %dma_start3A_154 = tpu.memref_slice %arg5[%dma_start3A_152, %dma_start3A_153] : memref<100512x128xf32, #tpu.memory_space<hbm>> -> memref<100512x128xf32, #tpu.memory_space<hbm>>
      tpu.enqueue_indirect_dma source(%dma_start3A_154 : memref<100512x128xf32, #tpu.memory_space<hbm>>) target(%dma_start3A_149 : memref<128x128xf32, #tpu.memory_space<vmem>>) offsets(%dma_start3A_151 : memref<128xi32, #tpu.memory_space<vmem>>) semaphore(%arg19 : memref<!tpu.dma_semaphore, #tpu.memory_space<semaphore_mem>>)
      %dma_start3A_155 = arith.constant 128 : i32
      %dma_start3A_156 = arith.constant 0 : i32
      %dma_start3A_157 = tpu.memref_slice %arg13[%dma_start3A_155, %dma_start3A_156] : memref<320x128xf32, #tpu.memory_space<vmem>> -> memref<128x128xf32, #tpu.memory_space<vmem>>
      %dma_start3A_158 = arith.constant 128 : i32
      %dma_start3A_159 = tpu.memref_slice %arg15[%dma_start3A_158] : memref<320xi32, #tpu.memory_space<vmem>> -> memref<128xi32, #tpu.memory_space<vmem>>
      %dma_start3A_160 = arith.constant 0 : i32
      %dma_start3A_161 = arith.constant 0 : i32
      %dma_start3A_162 = tpu.memref_slice %arg5[%dma_start3A_160, %dma_start3A_161] : memref<100512x128xf32, #tpu.memory_space<hbm>> -> memref<100512x128xf32, #tpu.memory_space<hbm>>
      tpu.enqueue_indirect_dma source(%dma_start3A_162 : memref<100512x128xf32, #tpu.memory_space<hbm>>) target(%dma_start3A_157 : memref<128x128xf32, #tpu.memory_space<vmem>>) offsets(%dma_start3A_159 : memref<128xi32, #tpu.memory_space<vmem>>) semaphore(%arg19 : memref<!tpu.dma_semaphore, #tpu.memory_space<semaphore_mem>>)
      %dma_start3A_163 = arith.constant 256 : i32
      %dma_start3A_164 = arith.constant 0 : i32
      %dma_start3A_165 = tpu.memref_slice %arg13[%dma_start3A_163, %dma_start3A_164] : memref<320x128xf32, #tpu.memory_space<vmem>> -> memref<64x128xf32, #tpu.memory_space<vmem>>
      %dma_start3A_166 = arith.constant 256 : i32
      %dma_start3A_167 = tpu.memref_slice %arg15[%dma_start3A_166] : memref<320xi32, #tpu.memory_space<vmem>> -> memref<64xi32, #tpu.memory_space<vmem>>
      %dma_start3A_168 = arith.constant 0 : i32
      %dma_start3A_169 = arith.constant 0 : i32
      %dma_start3A_170 = tpu.memref_slice %arg5[%dma_start3A_168, %dma_start3A_169] : memref<100512x128xf32, #tpu.memory_space<hbm>> -> memref<100512x128xf32, #tpu.memory_space<hbm>>
      tpu.enqueue_indirect_dma source(%dma_start3A_170 : memref<100512x128xf32, #tpu.memory_space<hbm>>) target(%dma_start3A_165 : memref<64x128xf32, #tpu.memory_space<vmem>>) offsets(%dma_start3A_167 : memref<64xi32, #tpu.memory_space<vmem>>) semaphore(%arg19 : memref<!tpu.dma_semaphore, #tpu.memory_space<semaphore_mem>>)
      %dma_wait3A_171 = arith.constant 0 : i32
      %dma_wait3A_172 = arith.constant 0 : i32
      %dma_wait3A_173 = tpu.memref_slice %arg5[%dma_wait3A_171, %dma_wait3A_172] : memref<100512x128xf32, #tpu.memory_space<hbm>> -> memref<320x128xf32, #tpu.memory_space<hbm>>
      %dma_wait3A_174 = arith.constant 0 : i32
      %dma_wait3A_175 = arith.constant 0 : i32
      %dma_wait3A_176 = tpu.memref_slice %arg5[%dma_wait3A_174, %dma_wait3A_175] : memref<100512x128xf32, #tpu.memory_space<hbm>> -> memref<320x128xf32, #tpu.memory_space<hbm>>
      tpu.wait_dma2 semaphore(%arg18 : memref<!tpu.dma_semaphore, #tpu.memory_space<semaphore_mem>>) src(%dma_wait3A_176 : memref<320x128xf32, #tpu.memory_space<hbm>>) dst(%arg12 : memref<320x128xf32, #tpu.memory_space<vmem>>)
      %scan3A_177 = arith.constant 0 : i32
      %scan3A_178 = arith.constant 16 : i32
      %scan3A_179 = arith.addi %scan3A_177, %scan3A_178 : i32
      %scan3A_180 = arith.constant 1 : i32
      scf.for %scan3A_244 = %scan3A_177 to %scan3A_179 step %scan3A_180  : i32 {
        %mul3A_245 = arith.constant 20 : i32
        %mul3A_246 = arith.muli %scan3A_244, %mul3A_245 : i32
        %get3A_247 = arith.index_cast %mul3A_246 : i32 to index
        %get3A_248 = arith.constant 0 : index
        %get3A_249 = tpu.vector_load %arg12[%get3A_247, %get3A_248] {strides = array<i32>} : memref<320x128xf32, #tpu.memory_space<vmem>>, vector<16xf32>,
        %get3A_250 = arith.index_cast %mul3A_246 : i32 to index
        %get3A_251 = arith.constant 16 : index
        %get3A_252 = tpu.vector_load %arg12[%get3A_250, %get3A_251] {strides = array<i32>} : memref<320x128xf32, #tpu.memory_space<vmem>>, vector<16xf32>,
        %add3A_253 = arith.constant 1 : i32
        %add3A_254 = arith.addi %mul3A_246, %add3A_253 : i32
        %get3A_255 = arith.index_cast %add3A_254 : i32 to index
        %get3A_256 = arith.constant 0 : index
        %get3A_257 = tpu.vector_load %arg12[%get3A_255, %get3A_256] {strides = array<i32>} : memref<320x128xf32, #tpu.memory_space<vmem>>, vector<16xf32>,
        %add3A_258 = arith.addf %get3A_249, %get3A_257 : vector<16xf32>
        %add3A_259 = arith.constant 1 : i32
        %add3A_260 = arith.addi %mul3A_246, %add3A_259 : i32
        %get3A_261 = arith.index_cast %add3A_260 : i32 to index
        %get3A_262 = arith.constant 16 : index
        %get3A_263 = tpu.vector_load %arg12[%get3A_261, %get3A_262] {strides = array<i32>} : memref<320x128xf32, #tpu.memory_space<vmem>>, vector<16xf32>,
        %add3A_264 = arith.addf %get3A_252, %get3A_263 : vector<16xf32>
        %add3A_265 = arith.constant 2 : i32
        %add3A_266 = arith.addi %mul3A_246, %add3A_265 : i32
        %get3A_267 = arith.index_cast %add3A_266 : i32 to index
        %get3A_268 = arith.constant 0 : index
        %get3A_269 = tpu.vector_load %arg12[%get3A_267, %get3A_268] {strides = array<i32>} : memref<320x128xf32, #tpu.memory_space<vmem>>, vector<16xf32>,
        %add3A_270 = arith.addf %add3A_258, %get3A_269 : vector<16xf32>
        %add3A_271 = arith.constant 2 : i32
        %add3A_272 = arith.addi %mul3A_246, %add3A_271 : i32
        %get3A_273 = arith.index_cast %add3A_272 : i32 to index
        %get3A_274 = arith.constant 16 : index
        %get3A_275 = tpu.vector_load %arg12[%get3A_273, %get3A_274] {strides = array<i32>} : memref<320x128xf32, #tpu.memory_space<vmem>>, vector<16xf32>,
        %add3A_276 = arith.addf %add3A_264, %get3A_275 : vector<16xf32>
        %add3A_277 = arith.constant 3 : i32
        %add3A_278 = arith.addi %mul3A_246, %add3A_277 : i32
        %get3A_279 = arith.index_cast %add3A_278 : i32 to index
        %get3A_280 = arith.constant 0 : index
        %get3A_281 = tpu.vector_load %arg12[%get3A_279, %get3A_280] {strides = array<i32>} : memref<320x128xf32, #tpu.memory_space<vmem>>, vector<16xf32>,
        %add3A_282 = arith.addf %add3A_270, %get3A_281 : vector<16xf32>
        %add3A_283 = arith.constant 3 : i32
        %add3A_284 = arith.addi %mul3A_246, %add3A_283 : i32
        %get3A_285 = arith.index_cast %add3A_284 : i32 to index
        %get3A_286 = arith.constant 16 : index
        %get3A_287 = tpu.vector_load %arg12[%get3A_285, %get3A_286] {strides = array<i32>} : memref<320x128xf32, #tpu.memory_space<vmem>>, vector<16xf32>,
        %add3A_288 = arith.addf %add3A_276, %get3A_287 : vector<16xf32>
        %add3A_289 = arith.constant 4 : i32
        %add3A_290 = arith.addi %mul3A_246, %add3A_289 : i32
        %get3A_291 = arith.index_cast %add3A_290 : i32 to index
        %get3A_292 = arith.constant 0 : index
        %get3A_293 = tpu.vector_load %arg12[%get3A_291, %get3A_292] {strides = array<i32>} : memref<320x128xf32, #tpu.memory_space<vmem>>, vector<16xf32>,
        %add3A_294 = arith.addf %add3A_282, %get3A_293 : vector<16xf32>
        %add3A_295 = arith.constant 4 : i32
        %add3A_296 = arith.addi %mul3A_246, %add3A_295 : i32
        %get3A_297 = arith.index_cast %add3A_296 : i32 to index
        %get3A_298 = arith.constant 16 : index
        %get3A_299 = tpu.vector_load %arg12[%get3A_297, %get3A_298] {strides = array<i32>} : memref<320x128xf32, #tpu.memory_space<vmem>>, vector<16xf32>,
        %add3A_300 = arith.addf %add3A_288, %get3A_299 : vector<16xf32>
        %add3A_301 = arith.constant 5 : i32
        %add3A_302 = arith.addi %mul3A_246, %add3A_301 : i32
        %get3A_303 = arith.index_cast %add3A_302 : i32 to index
        %get3A_304 = arith.constant 0 : index
        %get3A_305 = tpu.vector_load %arg12[%get3A_303, %get3A_304] {strides = array<i32>} : memref<320x128xf32, #tpu.memory_space<vmem>>, vector<16xf32>,
        %add3A_306 = arith.addf %add3A_294, %get3A_305 : vector<16xf32>
        %add3A_307 = arith.constant 5 : i32
        %add3A_308 = arith.addi %mul3A_246, %add3A_307 : i32
        %get3A_309 = arith.index_cast %add3A_308 : i32 to index
        %get3A_310 = arith.constant 16 : index
        %get3A_311 = tpu.vector_load %arg12[%get3A_309, %get3A_310] {strides = array<i32>} : memref<320x128xf32, #tpu.memory_space<vmem>>, vector<16xf32>,
        %add3A_312 = arith.addf %add3A_300, %get3A_311 : vector<16xf32>
        %add3A_313 = arith.constant 6 : i32
        %add3A_314 = arith.addi %mul3A_246, %add3A_313 : i32
        %get3A_315 = arith.index_cast %add3A_314 : i32 to index
        %get3A_316 = arith.constant 0 : index
        %get3A_317 = tpu.vector_load %arg12[%get3A_315, %get3A_316] {strides = array<i32>} : memref<320x128xf32, #tpu.memory_space<vmem>>, vector<16xf32>,
        %add3A_318 = arith.addf %add3A_306, %get3A_317 : vector<16xf32>
        %add3A_319 = arith.constant 6 : i32
        %add3A_320 = arith.addi %mul3A_246, %add3A_319 : i32
        %get3A_321 = arith.index_cast %add3A_320 : i32 to index
        %get3A_322 = arith.constant 16 : index
        %get3A_323 = tpu.vector_load %arg12[%get3A_321, %get3A_322] {strides = array<i32>} : memref<320x128xf32, #tpu.memory_space<vmem>>, vector<16xf32>,
        %add3A_324 = arith.addf %add3A_312, %get3A_323 : vector<16xf32>
        %add3A_325 = arith.constant 7 : i32
        %add3A_326 = arith.addi %mul3A_246, %add3A_325 : i32
        %get3A_327 = arith.index_cast %add3A_326 : i32 to index
        %get3A_328 = arith.constant 0 : index
        %get3A_329 = tpu.vector_load %arg12[%get3A_327, %get3A_328] {strides = array<i32>} : memref<320x128xf32, #tpu.memory_space<vmem>>, vector<16xf32>,
        %add3A_330 = arith.addf %add3A_318, %get3A_329 : vector<16xf32>
        %add3A_331 = arith.constant 7 : i32
        %add3A_332 = arith.addi %mul3A_246, %add3A_331 : i32
        %get3A_333 = arith.index_cast %add3A_332 : i32 to index
        %get3A_334 = arith.constant 16 : index
        %get3A_335 = tpu.vector_load %arg12[%get3A_333, %get3A_334] {strides = array<i32>} : memref<320x128xf32, #tpu.memory_space<vmem>>, vector<16xf32>,
        %add3A_336 = arith.addf %add3A_324, %get3A_335 : vector<16xf32>
        %add3A_337 = arith.constant 8 : i32
        %add3A_338 = arith.addi %mul3A_246, %add3A_337 : i32
        %get3A_339 = arith.index_cast %add3A_338 : i32 to index
        %get3A_340 = arith.constant 0 : index
        %get3A_341 = tpu.vector_load %arg12[%get3A_339, %get3A_340] {strides = array<i32>} : memref<320x128xf32, #tpu.memory_space<vmem>>, vector<16xf32>,
        %add3A_342 = arith.addf %add3A_330, %get3A_341 : vector<16xf32>
        %add3A_343 = arith.constant 8 : i32
        %add3A_344 = arith.addi %mul3A_246, %add3A_343 : i32
        %get3A_345 = arith.index_cast %add3A_344 : i32 to index
        %get3A_346 = arith.constant 16 : index
        %get3A_347 = tpu.vector_load %arg12[%get3A_345, %get3A_346] {strides = array<i32>} : memref<320x128xf32, #tpu.memory_space<vmem>>, vector<16xf32>,
        %add3A_348 = arith.addf %add3A_336, %get3A_347 : vector<16xf32>
        %add3A_349 = arith.constant 9 : i32
        %add3A_350 = arith.addi %mul3A_246, %add3A_349 : i32
        %get3A_351 = arith.index_cast %add3A_350 : i32 to index
        %get3A_352 = arith.constant 0 : index
        %get3A_353 = tpu.vector_load %arg12[%get3A_351, %get3A_352] {strides = array<i32>} : memref<320x128xf32, #tpu.memory_space<vmem>>, vector<16xf32>,
        %add3A_354 = arith.addf %add3A_342, %get3A_353 : vector<16xf32>
        %add3A_355 = arith.constant 9 : i32
        %add3A_356 = arith.addi %mul3A_246, %add3A_355 : i32
        %get3A_357 = arith.index_cast %add3A_356 : i32 to index
        %get3A_358 = arith.constant 16 : index
        %get3A_359 = tpu.vector_load %arg12[%get3A_357, %get3A_358] {strides = array<i32>} : memref<320x128xf32, #tpu.memory_space<vmem>>, vector<16xf32>,
        %add3A_360 = arith.addf %add3A_348, %get3A_359 : vector<16xf32>
        %add3A_361 = arith.constant 10 : i32
        %add3A_362 = arith.addi %mul3A_246, %add3A_361 : i32
        %get3A_363 = arith.index_cast %add3A_362 : i32 to index
        %get3A_364 = arith.constant 0 : index
        %get3A_365 = tpu.vector_load %arg12[%get3A_363, %get3A_364] {strides = array<i32>} : memref<320x128xf32, #tpu.memory_space<vmem>>, vector<16xf32>,
        %add3A_366 = arith.addf %add3A_354, %get3A_365 : vector<16xf32>
        %add3A_367 = arith.constant 10 : i32
        %add3A_368 = arith.addi %mul3A_246, %add3A_367 : i32
        %get3A_369 = arith.index_cast %add3A_368 : i32 to index
        %get3A_370 = arith.constant 16 : index
        %get3A_371 = tpu.vector_load %arg12[%get3A_369, %get3A_370] {strides = array<i32>} : memref<320x128xf32, #tpu.memory_space<vmem>>, vector<16xf32>,
        %add3A_372 = arith.addf %add3A_360, %get3A_371 : vector<16xf32>
        %add3A_373 = arith.constant 11 : i32
        %add3A_374 = arith.addi %mul3A_246, %add3A_373 : i32
        %get3A_375 = arith.index_cast %add3A_374 : i32 to index
        %get3A_376 = arith.constant 0 : index
        %get3A_377 = tpu.vector_load %arg12[%get3A_375, %get3A_376] {strides = array<i32>} : memref<320x128xf32, #tpu.memory_space<vmem>>, vector<16xf32>,
        %add3A_378 = arith.addf %add3A_366, %get3A_377 : vector<16xf32>
        %add3A_379 = arith.constant 11 : i32
        %add3A_380 = arith.addi %mul3A_246, %add3A_379 : i32
        %get3A_381 = arith.index_cast %add3A_380 : i32 to index
        %get3A_382 = arith.constant 16 : index
        %get3A_383 = tpu.vector_load %arg12[%get3A_381, %get3A_382] {strides = array<i32>} : memref<320x128xf32, #tpu.memory_space<vmem>>, vector<16xf32>,
        %add3A_384 = arith.addf %add3A_372, %get3A_383 : vector<16xf32>
        %add3A_385 = arith.constant 12 : i32
        %add3A_386 = arith.addi %mul3A_246, %add3A_385 : i32
        %get3A_387 = arith.index_cast %add3A_386 : i32 to index
        %get3A_388 = arith.constant 0 : index
        %get3A_389 = tpu.vector_load %arg12[%get3A_387, %get3A_388] {strides = array<i32>} : memref<320x128xf32, #tpu.memory_space<vmem>>, vector<16xf32>,
        %add3A_390 = arith.addf %add3A_378, %get3A_389 : vector<16xf32>
        %add3A_391 = arith.constant 12 : i32
        %add3A_392 = arith.addi %mul3A_246, %add3A_391 : i32
        %get3A_393 = arith.index_cast %add3A_392 : i32 to index
        %get3A_394 = arith.constant 16 : index
        %get3A_395 = tpu.vector_load %arg12[%get3A_393, %get3A_394] {strides = array<i32>} : memref<320x128xf32, #tpu.memory_space<vmem>>, vector<16xf32>,
        %add3A_396 = arith.addf %add3A_384, %get3A_395 : vector<16xf32>
        %add3A_397 = arith.constant 13 : i32
        %add3A_398 = arith.addi %mul3A_246, %add3A_397 : i32
        %get3A_399 = arith.index_cast %add3A_398 : i32 to index
        %get3A_400 = arith.constant 0 : index
        %get3A_401 = tpu.vector_load %arg12[%get3A_399, %get3A_400] {strides = array<i32>} : memref<320x128xf32, #tpu.memory_space<vmem>>, vector<16xf32>,
        %add3A_402 = arith.addf %add3A_390, %get3A_401 : vector<16xf32>
        %add3A_403 = arith.constant 13 : i32
        %add3A_404 = arith.addi %mul3A_246, %add3A_403 : i32
        %get3A_405 = arith.index_cast %add3A_404 : i32 to index
        %get3A_406 = arith.constant 16 : index
        %get3A_407 = tpu.vector_load %arg12[%get3A_405, %get3A_406] {strides = array<i32>} : memref<320x128xf32, #tpu.memory_space<vmem>>, vector<16xf32>,
        %add3A_408 = arith.addf %add3A_396, %get3A_407 : vector<16xf32>
        %add3A_409 = arith.constant 14 : i32
        %add3A_410 = arith.addi %mul3A_246, %add3A_409 : i32
        %get3A_411 = arith.index_cast %add3A_410 : i32 to index
        %get3A_412 = arith.constant 0 : index
        %get3A_413 = tpu.vector_load %arg12[%get3A_411, %get3A_412] {strides = array<i32>} : memref<320x128xf32, #tpu.memory_space<vmem>>, vector<16xf32>,
        %add3A_414 = arith.addf %add3A_402, %get3A_413 : vector<16xf32>
        %add3A_415 = arith.constant 14 : i32
        %add3A_416 = arith.addi %mul3A_246, %add3A_415 : i32
        %get3A_417 = arith.index_cast %add3A_416 : i32 to index
        %get3A_418 = arith.constant 16 : index
        %get3A_419 = tpu.vector_load %arg12[%get3A_417, %get3A_418] {strides = array<i32>} : memref<320x128xf32, #tpu.memory_space<vmem>>, vector<16xf32>,
        %add3A_420 = arith.addf %add3A_408, %get3A_419 : vector<16xf32>
        %add3A_421 = arith.constant 15 : i32
        %add3A_422 = arith.addi %mul3A_246, %add3A_421 : i32
        %get3A_423 = arith.index_cast %add3A_422 : i32 to index
        %get3A_424 = arith.constant 0 : index
        %get3A_425 = tpu.vector_load %arg12[%get3A_423, %get3A_424] {strides = array<i32>} : memref<320x128xf32, #tpu.memory_space<vmem>>, vector<16xf32>,
        %add3A_426 = arith.addf %add3A_414, %get3A_425 : vector<16xf32>
        %add3A_427 = arith.constant 15 : i32
        %add3A_428 = arith.addi %mul3A_246, %add3A_427 : i32
        %get3A_429 = arith.index_cast %add3A_428 : i32 to index
        %get3A_430 = arith.constant 16 : index
        %get3A_431 = tpu.vector_load %arg12[%get3A_429, %get3A_430] {strides = array<i32>} : memref<320x128xf32, #tpu.memory_space<vmem>>, vector<16xf32>,
        %add3A_432 = arith.addf %add3A_420, %get3A_431 : vector<16xf32>
        %add3A_433 = arith.constant 16 : i32
        %add3A_434 = arith.addi %mul3A_246, %add3A_433 : i32
        %get3A_435 = arith.index_cast %add3A_434 : i32 to index
        %get3A_436 = arith.constant 0 : index
        %get3A_437 = tpu.vector_load %arg12[%get3A_435, %get3A_436] {strides = array<i32>} : memref<320x128xf32, #tpu.memory_space<vmem>>, vector<16xf32>,
        %add3A_438 = arith.addf %add3A_426, %get3A_437 : vector<16xf32>
        %add3A_439 = arith.constant 16 : i32
        %add3A_440 = arith.addi %mul3A_246, %add3A_439 : i32
        %get3A_441 = arith.index_cast %add3A_440 : i32 to index
        %get3A_442 = arith.constant 16 : index
        %get3A_443 = tpu.vector_load %arg12[%get3A_441, %get3A_442] {strides = array<i32>} : memref<320x128xf32, #tpu.memory_space<vmem>>, vector<16xf32>,
        %add3A_444 = arith.addf %add3A_432, %get3A_443 : vector<16xf32>
        %add3A_445 = arith.constant 17 : i32
        %add3A_446 = arith.addi %mul3A_246, %add3A_445 : i32
        %get3A_447 = arith.index_cast %add3A_446 : i32 to index
        %get3A_448 = arith.constant 0 : index
        %get3A_449 = tpu.vector_load %arg12[%get3A_447, %get3A_448] {strides = array<i32>} : memref<320x128xf32, #tpu.memory_space<vmem>>, vector<16xf32>,
        %add3A_450 = arith.addf %add3A_438, %get3A_449 : vector<16xf32>
        %add3A_451 = arith.constant 17 : i32
        %add3A_452 = arith.addi %mul3A_246, %add3A_451 : i32
        %get3A_453 = arith.index_cast %add3A_452 : i32 to index
        %get3A_454 = arith.constant 16 : index
        %get3A_455 = tpu.vector_load %arg12[%get3A_453, %get3A_454] {strides = array<i32>} : memref<320x128xf32, #tpu.memory_space<vmem>>, vector<16xf32>,
        %add3A_456 = arith.addf %add3A_444, %get3A_455 : vector<16xf32>
        %add3A_457 = arith.constant 18 : i32
        %add3A_458 = arith.addi %mul3A_246, %add3A_457 : i32
        %get3A_459 = arith.index_cast %add3A_458 : i32 to index
        %get3A_460 = arith.constant 0 : index
        %get3A_461 = tpu.vector_load %arg12[%get3A_459, %get3A_460] {strides = array<i32>} : memref<320x128xf32, #tpu.memory_space<vmem>>, vector<16xf32>,
        %add3A_462 = arith.addf %add3A_450, %get3A_461 : vector<16xf32>
        %add3A_463 = arith.constant 18 : i32
        %add3A_464 = arith.addi %mul3A_246, %add3A_463 : i32
        %get3A_465 = arith.index_cast %add3A_464 : i32 to index
        %get3A_466 = arith.constant 16 : index
        %get3A_467 = tpu.vector_load %arg12[%get3A_465, %get3A_466] {strides = array<i32>} : memref<320x128xf32, #tpu.memory_space<vmem>>, vector<16xf32>,
        %add3A_468 = arith.addf %add3A_456, %get3A_467 : vector<16xf32>
        %add3A_469 = arith.constant 19 : i32
        %add3A_470 = arith.addi %mul3A_246, %add3A_469 : i32
        %get3A_471 = arith.index_cast %add3A_470 : i32 to index
        %get3A_472 = arith.constant 0 : index
        %get3A_473 = tpu.vector_load %arg12[%get3A_471, %get3A_472] {strides = array<i32>} : memref<320x128xf32, #tpu.memory_space<vmem>>, vector<16xf32>,
        %add3A_474 = arith.addf %add3A_462, %get3A_473 : vector<16xf32>
        %add3A_475 = arith.constant 19 : i32
        %add3A_476 = arith.addi %mul3A_246, %add3A_475 : i32
        %get3A_477 = arith.index_cast %add3A_476 : i32 to index
        %get3A_478 = arith.constant 16 : index
        %get3A_479 = tpu.vector_load %arg12[%get3A_477, %get3A_478] {strides = array<i32>} : memref<320x128xf32, #tpu.memory_space<vmem>>, vector<16xf32>,
        %add3A_480 = arith.addf %add3A_468, %get3A_479 : vector<16xf32>
        %swap3A_481 = arith.index_cast %scan3A_244 : i32 to index
        %swap3A_482 = arith.constant 0 : index
        %swap3A_483 = tpu.vector_load %arg22[%swap3A_481, %swap3A_482] {strides = array<i32>} : memref<16x32xf32, #tpu.memory_space<vmem>>, vector<16xf32>,
        tpu.vector_store %arg22[%swap3A_481, %swap3A_482], %add3A_474 {strides = array<i32>} : memref<16x32xf32, #tpu.memory_space<vmem>>, vector<16xf32>,
        %swap3A_484 = arith.index_cast %scan3A_244 : i32 to index
        %swap3A_485 = arith.constant 16 : index
        %swap3A_486 = tpu.vector_load %arg22[%swap3A_484, %swap3A_485] {strides = array<i32>} : memref<16x32xf32, #tpu.memory_space<vmem>>, vector<16xf32>,
        tpu.vector_store %arg22[%swap3A_484, %swap3A_485], %add3A_480 {strides = array<i32>} : memref<16x32xf32, #tpu.memory_space<vmem>>, vector<16xf32>,
      }
      %scan3A_181 = arith.constant 16 : i32
      %dma_start3A_182 = tpu.memref_slice %arg8[%add3A_129] : memref<512xi32, #tpu.memory_space<vmem>> -> memref<16xi32, #tpu.memory_space<vmem>>
      %dma_start3A_183 = arith.constant 0 : i32
      %dma_start3A_184 = arith.constant 0 : i32
      %dma_start3A_185 = tpu.memref_slice %arg4[%dma_start3A_183, %dma_start3A_184] : memref<25000x128xi32, #tpu.memory_space<hbm>> -> memref<25000x128xi32, #tpu.memory_space<hbm>>
      tpu.enqueue_indirect_dma source(%dma_start3A_185 : memref<25000x128xi32, #tpu.memory_space<hbm>>) target(%arg17 : memref<16x128xi32, #tpu.memory_space<vmem>>) offsets(%dma_start3A_182 : memref<16xi32, #tpu.memory_space<vmem>>) semaphore(%arg21 : memref<!tpu.dma_semaphore, #tpu.memory_space<semaphore_mem>>)
      %dma_wait3A_186 = arith.constant 0 : i32
      %dma_wait3A_187 = arith.constant 0 : i32
      %dma_wait3A_188 = tpu.memref_slice %arg4[%dma_wait3A_186, %dma_wait3A_187] : memref<25000x128xi32, #tpu.memory_space<hbm>> -> memref<16x128xi32, #tpu.memory_space<hbm>>
      %dma_wait3A_189 = arith.constant 0 : i32
      %dma_wait3A_190 = arith.constant 0 : i32
      %dma_wait3A_191 = tpu.memref_slice %arg4[%dma_wait3A_189, %dma_wait3A_190] : memref<25000x128xi32, #tpu.memory_space<hbm>> -> memref<16x128xi32, #tpu.memory_space<hbm>>
      tpu.wait_dma2 semaphore(%arg20 : memref<!tpu.dma_semaphore, #tpu.memory_space<semaphore_mem>>) src(%dma_wait3A_191 : memref<16x128xi32, #tpu.memory_space<hbm>>) dst(%arg16 : memref<16x128xi32, #tpu.memory_space<vmem>>)
      %get3A_192 = arith.index_cast %add3A_129 : i32 to index
      %get3A_193 = tpu.vector_load %arg25[%get3A_192] {strides = array<i32>} : memref<512xi32, #tpu.memory_space<vmem>>, vector<16xi32>,
      %scan3A_194 = arith.constant 0 : i32
      %scan3A_195 = arith.constant 20 : i32
      %scan3A_196 = arith.addi %scan3A_194, %scan3A_195 : i32
      %scan3A_197 = arith.constant 1 : i32
      scf.for %scan3A_244 = %scan3A_194 to %scan3A_196 step %scan3A_197  : i32 {
        %add3A_245 = vector.broadcast %scan3A_244 : i32 to vector<16xi32>
        %add3A_246 = arith.addi %get3A_193, %add3A_245 : vector<16xi32>
        %gather3A = tpu.vector_load_idx %arg16[%iota3A, %add3A_246] : memref<16x128xi32, #tpu.memory_space<vmem>>[vector<16xi32>, vector<16xi32>], vector<16xi32>,
        %add3A_247 = vector.broadcast %scan3A_244 : i32 to vector<16xi32>
        %add3A_248 = arith.addi %mul3A_5, %add3A_247 : vector<16xi32>
        tpu.vector_store_idx %arg14[%add3A_248], %gather3A : memref<320xi32, #tpu.memory_space<vmem>>[vector<16xi32>], vector<16xi32>,
      }
      %scan3A_198 = arith.constant 20 : i32
      %dma_start3A_199 = arith.constant 0 : i32
      %dma_start3A_200 = arith.constant 0 : i32
      %dma_start3A_201 = tpu.memref_slice %arg12[%dma_start3A_199, %dma_start3A_200] : memref<320x128xf32, #tpu.memory_space<vmem>> -> memref<128x128xf32, #tpu.memory_space<vmem>>
      %dma_start3A_202 = arith.constant 0 : i32
      %dma_start3A_203 = tpu.memref_slice %arg14[%dma_start3A_202] : memref<320xi32, #tpu.memory_space<vmem>> -> memref<128xi32, #tpu.memory_space<vmem>>
      %dma_start3A_204 = arith.constant 0 : i32
      %dma_start3A_205 = arith.constant 0 : i32
      %dma_start3A_206 = tpu.memref_slice %arg5[%dma_start3A_204, %dma_start3A_205] : memref<100512x128xf32, #tpu.memory_space<hbm>> -> memref<100512x128xf32, #tpu.memory_space<hbm>>
      tpu.enqueue_indirect_dma source(%dma_start3A_206 : memref<100512x128xf32, #tpu.memory_space<hbm>>) target(%dma_start3A_201 : memref<128x128xf32, #tpu.memory_space<vmem>>) offsets(%dma_start3A_203 : memref<128xi32, #tpu.memory_space<vmem>>) semaphore(%arg18 : memref<!tpu.dma_semaphore, #tpu.memory_space<semaphore_mem>>)
      %dma_start3A_207 = arith.constant 128 : i32
      %dma_start3A_208 = arith.constant 0 : i32
      %dma_start3A_209 = tpu.memref_slice %arg12[%dma_start3A_207, %dma_start3A_208] : memref<320x128xf32, #tpu.memory_space<vmem>> -> memref<128x128xf32, #tpu.memory_space<vmem>>
      %dma_start3A_210 = arith.constant 128 : i32
      %dma_start3A_211 = tpu.memref_slice %arg14[%dma_start3A_210] : memref<320xi32, #tpu.memory_space<vmem>> -> memref<128xi32, #tpu.memory_space<vmem>>
      %dma_start3A_212 = arith.constant 0 : i32
      %dma_start3A_213 = arith.constant 0 : i32
      %dma_start3A_214 = tpu.memref_slice %arg5[%dma_start3A_212, %dma_start3A_213] : memref<100512x128xf32, #tpu.memory_space<hbm>> -> memref<100512x128xf32, #tpu.memory_space<hbm>>
      tpu.enqueue_indirect_dma source(%dma_start3A_214 : memref<100512x128xf32, #tpu.memory_space<hbm>>) target(%dma_start3A_209 : memref<128x128xf32, #tpu.memory_space<vmem>>) offsets(%dma_start3A_211 : memref<128xi32, #tpu.memory_space<vmem>>) semaphore(%arg18 : memref<!tpu.dma_semaphore, #tpu.memory_space<semaphore_mem>>)
      %dma_start3A_215 = arith.constant 256 : i32
      %dma_start3A_216 = arith.constant 0 : i32
      %dma_start3A_217 = tpu.memref_slice %arg12[%dma_start3A_215, %dma_start3A_216] : memref<320x128xf32, #tpu.memory_space<vmem>> -> memref<64x128xf32, #tpu.memory_space<vmem>>
      %dma_start3A_218 = arith.constant 256 : i32
      %dma_start3A_219 = tpu.memref_slice %arg14[%dma_start3A_218] : memref<320xi32, #tpu.memory_space<vmem>> -> memref<64xi32, #tpu.memory_space<vmem>>
      %dma_start3A_220 = arith.constant 0 : i32
      %dma_start3A_221 = arith.constant 0 : i32
      %dma_start3A_222 = tpu.memref_slice %arg5[%dma_start3A_220, %dma_start3A_221] : memref<100512x128xf32, #tpu.memory_space<hbm>> -> memref<100512x128xf32, #tpu.memory_space<hbm>>
      tpu.enqueue_indirect_dma source(%dma_start3A_222 : memref<100512x128xf32, #tpu.memory_space<hbm>>) target(%dma_start3A_217 : memref<64x128xf32, #tpu.memory_space<vmem>>) offsets(%dma_start3A_219 : memref<64xi32, #tpu.memory_space<vmem>>) semaphore(%arg18 : memref<!tpu.dma_semaphore, #tpu.memory_space<semaphore_mem>>)
      %dma_wait3A_223 = arith.constant 0 : i32
      %dma_wait3A_224 = arith.constant 0 : i32
      %dma_wait3A_225 = tpu.memref_slice %arg5[%dma_wait3A_223, %dma_wait3A_224] : memref<100512x128xf32, #tpu.memory_space<hbm>> -> memref<320x128xf32, #tpu.memory_space<hbm>>
      %dma_wait3A_226 = arith.constant 0 : i32
      %dma_wait3A_227 = arith.constant 0 : i32
      %dma_wait3A_228 = tpu.memref_slice %arg5[%dma_wait3A_226, %dma_wait3A_227] : memref<100512x128xf32, #tpu.memory_space<hbm>> -> memref<320x128xf32, #tpu.memory_space<hbm>>
      tpu.wait_dma2 semaphore(%arg19 : memref<!tpu.dma_semaphore, #tpu.memory_space<semaphore_mem>>) src(%dma_wait3A_228 : memref<320x128xf32, #tpu.memory_space<hbm>>) dst(%arg13 : memref<320x128xf32, #tpu.memory_space<vmem>>)
      %scan3A_229 = arith.constant 0 : i32
      %scan3A_230 = arith.constant 16 : i32
      %scan3A_231 = arith.addi %scan3A_229, %scan3A_230 : i32
      %scan3A_232 = arith.constant 1 : i32
      scf.for %scan3A_244 = %scan3A_229 to %scan3A_231 step %scan3A_232  : i32 {
        %mul3A_245 = arith.constant 20 : i32
        %mul3A_246 = arith.muli %scan3A_244, %mul3A_245 : i32
        %get3A_247 = arith.index_cast %mul3A_246 : i32 to index
        %get3A_248 = arith.constant 0 : index
        %get3A_249 = tpu.vector_load %arg13[%get3A_247, %get3A_248] {strides = array<i32>} : memref<320x128xf32, #tpu.memory_space<vmem>>, vector<16xf32>,
        %get3A_250 = arith.index_cast %mul3A_246 : i32 to index
        %get3A_251 = arith.constant 16 : index
        %get3A_252 = tpu.vector_load %arg13[%get3A_250, %get3A_251] {strides = array<i32>} : memref<320x128xf32, #tpu.memory_space<vmem>>, vector<16xf32>,
        %add3A_253 = arith.constant 1 : i32
        %add3A_254 = arith.addi %mul3A_246, %add3A_253 : i32
        %get3A_255 = arith.index_cast %add3A_254 : i32 to index
        %get3A_256 = arith.constant 0 : index
        %get3A_257 = tpu.vector_load %arg13[%get3A_255, %get3A_256] {strides = array<i32>} : memref<320x128xf32, #tpu.memory_space<vmem>>, vector<16xf32>,
        %add3A_258 = arith.addf %get3A_249, %get3A_257 : vector<16xf32>
        %add3A_259 = arith.constant 1 : i32
        %add3A_260 = arith.addi %mul3A_246, %add3A_259 : i32
        %get3A_261 = arith.index_cast %add3A_260 : i32 to index
        %get3A_262 = arith.constant 16 : index
        %get3A_263 = tpu.vector_load %arg13[%get3A_261, %get3A_262] {strides = array<i32>} : memref<320x128xf32, #tpu.memory_space<vmem>>, vector<16xf32>,
        %add3A_264 = arith.addf %get3A_252, %get3A_263 : vector<16xf32>
        %add3A_265 = arith.constant 2 : i32
        %add3A_266 = arith.addi %mul3A_246, %add3A_265 : i32
        %get3A_267 = arith.index_cast %add3A_266 : i32 to index
        %get3A_268 = arith.constant 0 : index
        %get3A_269 = tpu.vector_load %arg13[%get3A_267, %get3A_268] {strides = array<i32>} : memref<320x128xf32, #tpu.memory_space<vmem>>, vector<16xf32>,
        %add3A_270 = arith.addf %add3A_258, %get3A_269 : vector<16xf32>
        %add3A_271 = arith.constant 2 : i32
        %add3A_272 = arith.addi %mul3A_246, %add3A_271 : i32
        %get3A_273 = arith.index_cast %add3A_272 : i32 to index
        %get3A_274 = arith.constant 16 : index
        %get3A_275 = tpu.vector_load %arg13[%get3A_273, %get3A_274] {strides = array<i32>} : memref<320x128xf32, #tpu.memory_space<vmem>>, vector<16xf32>,
        %add3A_276 = arith.addf %add3A_264, %get3A_275 : vector<16xf32>
        %add3A_277 = arith.constant 3 : i32
        %add3A_278 = arith.addi %mul3A_246, %add3A_277 : i32
        %get3A_279 = arith.index_cast %add3A_278 : i32 to index
        %get3A_280 = arith.constant 0 : index
        %get3A_281 = tpu.vector_load %arg13[%get3A_279, %get3A_280] {strides = array<i32>} : memref<320x128xf32, #tpu.memory_space<vmem>>, vector<16xf32>,
        %add3A_282 = arith.addf %add3A_270, %get3A_281 : vector<16xf32>
        %add3A_283 = arith.constant 3 : i32
        %add3A_284 = arith.addi %mul3A_246, %add3A_283 : i32
        %get3A_285 = arith.index_cast %add3A_284 : i32 to index
        %get3A_286 = arith.constant 16 : index
        %get3A_287 = tpu.vector_load %arg13[%get3A_285, %get3A_286] {strides = array<i32>} : memref<320x128xf32, #tpu.memory_space<vmem>>, vector<16xf32>,
        %add3A_288 = arith.addf %add3A_276, %get3A_287 : vector<16xf32>
        %add3A_289 = arith.constant 4 : i32
        %add3A_290 = arith.addi %mul3A_246, %add3A_289 : i32
        %get3A_291 = arith.index_cast %add3A_290 : i32 to index
        %get3A_292 = arith.constant 0 : index
        %get3A_293 = tpu.vector_load %arg13[%get3A_291, %get3A_292] {strides = array<i32>} : memref<320x128xf32, #tpu.memory_space<vmem>>, vector<16xf32>,
        %add3A_294 = arith.addf %add3A_282, %get3A_293 : vector<16xf32>
        %add3A_295 = arith.constant 4 : i32
        %add3A_296 = arith.addi %mul3A_246, %add3A_295 : i32
        %get3A_297 = arith.index_cast %add3A_296 : i32 to index
        %get3A_298 = arith.constant 16 : index
        %get3A_299 = tpu.vector_load %arg13[%get3A_297, %get3A_298] {strides = array<i32>} : memref<320x128xf32, #tpu.memory_space<vmem>>, vector<16xf32>,
        %add3A_300 = arith.addf %add3A_288, %get3A_299 : vector<16xf32>
        %add3A_301 = arith.constant 5 : i32
        %add3A_302 = arith.addi %mul3A_246, %add3A_301 : i32
        %get3A_303 = arith.index_cast %add3A_302 : i32 to index
        %get3A_304 = arith.constant 0 : index
        %get3A_305 = tpu.vector_load %arg13[%get3A_303, %get3A_304] {strides = array<i32>} : memref<320x128xf32, #tpu.memory_space<vmem>>, vector<16xf32>,
        %add3A_306 = arith.addf %add3A_294, %get3A_305 : vector<16xf32>
        %add3A_307 = arith.constant 5 : i32
        %add3A_308 = arith.addi %mul3A_246, %add3A_307 : i32
        %get3A_309 = arith.index_cast %add3A_308 : i32 to index
        %get3A_310 = arith.constant 16 : index
        %get3A_311 = tpu.vector_load %arg13[%get3A_309, %get3A_310] {strides = array<i32>} : memref<320x128xf32, #tpu.memory_space<vmem>>, vector<16xf32>,
        %add3A_312 = arith.addf %add3A_300, %get3A_311 : vector<16xf32>
        %add3A_313 = arith.constant 6 : i32
        %add3A_314 = arith.addi %mul3A_246, %add3A_313 : i32
        %get3A_315 = arith.index_cast %add3A_314 : i32 to index
        %get3A_316 = arith.constant 0 : index
        %get3A_317 = tpu.vector_load %arg13[%get3A_315, %get3A_316] {strides = array<i32>} : memref<320x128xf32, #tpu.memory_space<vmem>>, vector<16xf32>,
        %add3A_318 = arith.addf %add3A_306, %get3A_317 : vector<16xf32>
        %add3A_319 = arith.constant 6 : i32
        %add3A_320 = arith.addi %mul3A_246, %add3A_319 : i32
        %get3A_321 = arith.index_cast %add3A_320 : i32 to index
        %get3A_322 = arith.constant 16 : index
        %get3A_323 = tpu.vector_load %arg13[%get3A_321, %get3A_322] {strides = array<i32>} : memref<320x128xf32, #tpu.memory_space<vmem>>, vector<16xf32>,
        %add3A_324 = arith.addf %add3A_312, %get3A_323 : vector<16xf32>
        %add3A_325 = arith.constant 7 : i32
        %add3A_326 = arith.addi %mul3A_246, %add3A_325 : i32
        %get3A_327 = arith.index_cast %add3A_326 : i32 to index
        %get3A_328 = arith.constant 0 : index
        %get3A_329 = tpu.vector_load %arg13[%get3A_327, %get3A_328] {strides = array<i32>} : memref<320x128xf32, #tpu.memory_space<vmem>>, vector<16xf32>,
        %add3A_330 = arith.addf %add3A_318, %get3A_329 : vector<16xf32>
        %add3A_331 = arith.constant 7 : i32
        %add3A_332 = arith.addi %mul3A_246, %add3A_331 : i32
        %get3A_333 = arith.index_cast %add3A_332 : i32 to index
        %get3A_334 = arith.constant 16 : index
        %get3A_335 = tpu.vector_load %arg13[%get3A_333, %get3A_334] {strides = array<i32>} : memref<320x128xf32, #tpu.memory_space<vmem>>, vector<16xf32>,
        %add3A_336 = arith.addf %add3A_324, %get3A_335 : vector<16xf32>
        %add3A_337 = arith.constant 8 : i32
        %add3A_338 = arith.addi %mul3A_246, %add3A_337 : i32
        %get3A_339 = arith.index_cast %add3A_338 : i32 to index
        %get3A_340 = arith.constant 0 : index
        %get3A_341 = tpu.vector_load %arg13[%get3A_339, %get3A_340] {strides = array<i32>} : memref<320x128xf32, #tpu.memory_space<vmem>>, vector<16xf32>,
        %add3A_342 = arith.addf %add3A_330, %get3A_341 : vector<16xf32>
        %add3A_343 = arith.constant 8 : i32
        %add3A_344 = arith.addi %mul3A_246, %add3A_343 : i32
        %get3A_345 = arith.index_cast %add3A_344 : i32 to index
        %get3A_346 = arith.constant 16 : index
        %get3A_347 = tpu.vector_load %arg13[%get3A_345, %get3A_346] {strides = array<i32>} : memref<320x128xf32, #tpu.memory_space<vmem>>, vector<16xf32>,
        %add3A_348 = arith.addf %add3A_336, %get3A_347 : vector<16xf32>
        %add3A_349 = arith.constant 9 : i32
        %add3A_350 = arith.addi %mul3A_246, %add3A_349 : i32
        %get3A_351 = arith.index_cast %add3A_350 : i32 to index
        %get3A_352 = arith.constant 0 : index
        %get3A_353 = tpu.vector_load %arg13[%get3A_351, %get3A_352] {strides = array<i32>} : memref<320x128xf32, #tpu.memory_space<vmem>>, vector<16xf32>,
        %add3A_354 = arith.addf %add3A_342, %get3A_353 : vector<16xf32>
        %add3A_355 = arith.constant 9 : i32
        %add3A_356 = arith.addi %mul3A_246, %add3A_355 : i32
        %get3A_357 = arith.index_cast %add3A_356 : i32 to index
        %get3A_358 = arith.constant 16 : index
        %get3A_359 = tpu.vector_load %arg13[%get3A_357, %get3A_358] {strides = array<i32>} : memref<320x128xf32, #tpu.memory_space<vmem>>, vector<16xf32>,
        %add3A_360 = arith.addf %add3A_348, %get3A_359 : vector<16xf32>
        %add3A_361 = arith.constant 10 : i32
        %add3A_362 = arith.addi %mul3A_246, %add3A_361 : i32
        %get3A_363 = arith.index_cast %add3A_362 : i32 to index
        %get3A_364 = arith.constant 0 : index
        %get3A_365 = tpu.vector_load %arg13[%get3A_363, %get3A_364] {strides = array<i32>} : memref<320x128xf32, #tpu.memory_space<vmem>>, vector<16xf32>,
        %add3A_366 = arith.addf %add3A_354, %get3A_365 : vector<16xf32>
        %add3A_367 = arith.constant 10 : i32
        %add3A_368 = arith.addi %mul3A_246, %add3A_367 : i32
        %get3A_369 = arith.index_cast %add3A_368 : i32 to index
        %get3A_370 = arith.constant 16 : index
        %get3A_371 = tpu.vector_load %arg13[%get3A_369, %get3A_370] {strides = array<i32>} : memref<320x128xf32, #tpu.memory_space<vmem>>, vector<16xf32>,
        %add3A_372 = arith.addf %add3A_360, %get3A_371 : vector<16xf32>
        %add3A_373 = arith.constant 11 : i32
        %add3A_374 = arith.addi %mul3A_246, %add3A_373 : i32
        %get3A_375 = arith.index_cast %add3A_374 : i32 to index
        %get3A_376 = arith.constant 0 : index
        %get3A_377 = tpu.vector_load %arg13[%get3A_375, %get3A_376] {strides = array<i32>} : memref<320x128xf32, #tpu.memory_space<vmem>>, vector<16xf32>,
        %add3A_378 = arith.addf %add3A_366, %get3A_377 : vector<16xf32>
        %add3A_379 = arith.constant 11 : i32
        %add3A_380 = arith.addi %mul3A_246, %add3A_379 : i32
        %get3A_381 = arith.index_cast %add3A_380 : i32 to index
        %get3A_382 = arith.constant 16 : index
        %get3A_383 = tpu.vector_load %arg13[%get3A_381, %get3A_382] {strides = array<i32>} : memref<320x128xf32, #tpu.memory_space<vmem>>, vector<16xf32>,
        %add3A_384 = arith.addf %add3A_372, %get3A_383 : vector<16xf32>
        %add3A_385 = arith.constant 12 : i32
        %add3A_386 = arith.addi %mul3A_246, %add3A_385 : i32
        %get3A_387 = arith.index_cast %add3A_386 : i32 to index
        %get3A_388 = arith.constant 0 : index
        %get3A_389 = tpu.vector_load %arg13[%get3A_387, %get3A_388] {strides = array<i32>} : memref<320x128xf32, #tpu.memory_space<vmem>>, vector<16xf32>,
        %add3A_390 = arith.addf %add3A_378, %get3A_389 : vector<16xf32>
        %add3A_391 = arith.constant 12 : i32
        %add3A_392 = arith.addi %mul3A_246, %add3A_391 : i32
        %get3A_393 = arith.index_cast %add3A_392 : i32 to index
        %get3A_394 = arith.constant 16 : index
        %get3A_395 = tpu.vector_load %arg13[%get3A_393, %get3A_394] {strides = array<i32>} : memref<320x128xf32, #tpu.memory_space<vmem>>, vector<16xf32>,
        %add3A_396 = arith.addf %add3A_384, %get3A_395 : vector<16xf32>
        %add3A_397 = arith.constant 13 : i32
        %add3A_398 = arith.addi %mul3A_246, %add3A_397 : i32
        %get3A_399 = arith.index_cast %add3A_398 : i32 to index
        %get3A_400 = arith.constant 0 : index
        %get3A_401 = tpu.vector_load %arg13[%get3A_399, %get3A_400] {strides = array<i32>} : memref<320x128xf32, #tpu.memory_space<vmem>>, vector<16xf32>,
        %add3A_402 = arith.addf %add3A_390, %get3A_401 : vector<16xf32>
        %add3A_403 = arith.constant 13 : i32
        %add3A_404 = arith.addi %mul3A_246, %add3A_403 : i32
        %get3A_405 = arith.index_cast %add3A_404 : i32 to index
        %get3A_406 = arith.constant 16 : index
        %get3A_407 = tpu.vector_load %arg13[%get3A_405, %get3A_406] {strides = array<i32>} : memref<320x128xf32, #tpu.memory_space<vmem>>, vector<16xf32>,
        %add3A_408 = arith.addf %add3A_396, %get3A_407 : vector<16xf32>
        %add3A_409 = arith.constant 14 : i32
        %add3A_410 = arith.addi %mul3A_246, %add3A_409 : i32
        %get3A_411 = arith.index_cast %add3A_410 : i32 to index
        %get3A_412 = arith.constant 0 : index
        %get3A_413 = tpu.vector_load %arg13[%get3A_411, %get3A_412] {strides = array<i32>} : memref<320x128xf32, #tpu.memory_space<vmem>>, vector<16xf32>,
        %add3A_414 = arith.addf %add3A_402, %get3A_413 : vector<16xf32>
        %add3A_415 = arith.constant 14 : i32
        %add3A_416 = arith.addi %mul3A_246, %add3A_415 : i32
        %get3A_417 = arith.index_cast %add3A_416 : i32 to index
        %get3A_418 = arith.constant 16 : index
        %get3A_419 = tpu.vector_load %arg13[%get3A_417, %get3A_418] {strides = array<i32>} : memref<320x128xf32, #tpu.memory_space<vmem>>, vector<16xf32>,
        %add3A_420 = arith.addf %add3A_408, %get3A_419 : vector<16xf32>
        %add3A_421 = arith.constant 15 : i32
        %add3A_422 = arith.addi %mul3A_246, %add3A_421 : i32
        %get3A_423 = arith.index_cast %add3A_422 : i32 to index
        %get3A_424 = arith.constant 0 : index
        %get3A_425 = tpu.vector_load %arg13[%get3A_423, %get3A_424] {strides = array<i32>} : memref<320x128xf32, #tpu.memory_space<vmem>>, vector<16xf32>,
        %add3A_426 = arith.addf %add3A_414, %get3A_425 : vector<16xf32>
        %add3A_427 = arith.constant 15 : i32
        %add3A_428 = arith.addi %mul3A_246, %add3A_427 : i32
        %get3A_429 = arith.index_cast %add3A_428 : i32 to index
        %get3A_430 = arith.constant 16 : index
        %get3A_431 = tpu.vector_load %arg13[%get3A_429, %get3A_430] {strides = array<i32>} : memref<320x128xf32, #tpu.memory_space<vmem>>, vector<16xf32>,
        %add3A_432 = arith.addf %add3A_420, %get3A_431 : vector<16xf32>
        %add3A_433 = arith.constant 16 : i32
        %add3A_434 = arith.addi %mul3A_246, %add3A_433 : i32
        %get3A_435 = arith.index_cast %add3A_434 : i32 to index
        %get3A_436 = arith.constant 0 : index
        %get3A_437 = tpu.vector_load %arg13[%get3A_435, %get3A_436] {strides = array<i32>} : memref<320x128xf32, #tpu.memory_space<vmem>>, vector<16xf32>,
        %add3A_438 = arith.addf %add3A_426, %get3A_437 : vector<16xf32>
        %add3A_439 = arith.constant 16 : i32
        %add3A_440 = arith.addi %mul3A_246, %add3A_439 : i32
        %get3A_441 = arith.index_cast %add3A_440 : i32 to index
        %get3A_442 = arith.constant 16 : index
        %get3A_443 = tpu.vector_load %arg13[%get3A_441, %get3A_442] {strides = array<i32>} : memref<320x128xf32, #tpu.memory_space<vmem>>, vector<16xf32>,
        %add3A_444 = arith.addf %add3A_432, %get3A_443 : vector<16xf32>
        %add3A_445 = arith.constant 17 : i32
        %add3A_446 = arith.addi %mul3A_246, %add3A_445 : i32
        %get3A_447 = arith.index_cast %add3A_446 : i32 to index
        %get3A_448 = arith.constant 0 : index
        %get3A_449 = tpu.vector_load %arg13[%get3A_447, %get3A_448] {strides = array<i32>} : memref<320x128xf32, #tpu.memory_space<vmem>>, vector<16xf32>,
        %add3A_450 = arith.addf %add3A_438, %get3A_449 : vector<16xf32>
        %add3A_451 = arith.constant 17 : i32
        %add3A_452 = arith.addi %mul3A_246, %add3A_451 : i32
        %get3A_453 = arith.index_cast %add3A_452 : i32 to index
        %get3A_454 = arith.constant 16 : index
        %get3A_455 = tpu.vector_load %arg13[%get3A_453, %get3A_454] {strides = array<i32>} : memref<320x128xf32, #tpu.memory_space<vmem>>, vector<16xf32>,
        %add3A_456 = arith.addf %add3A_444, %get3A_455 : vector<16xf32>
        %add3A_457 = arith.constant 18 : i32
        %add3A_458 = arith.addi %mul3A_246, %add3A_457 : i32
        %get3A_459 = arith.index_cast %add3A_458 : i32 to index
        %get3A_460 = arith.constant 0 : index
        %get3A_461 = tpu.vector_load %arg13[%get3A_459, %get3A_460] {strides = array<i32>} : memref<320x128xf32, #tpu.memory_space<vmem>>, vector<16xf32>,
        %add3A_462 = arith.addf %add3A_450, %get3A_461 : vector<16xf32>
        %add3A_463 = arith.constant 18 : i32
        %add3A_464 = arith.addi %mul3A_246, %add3A_463 : i32
        %get3A_465 = arith.index_cast %add3A_464 : i32 to index
        %get3A_466 = arith.constant 16 : index
        %get3A_467 = tpu.vector_load %arg13[%get3A_465, %get3A_466] {strides = array<i32>} : memref<320x128xf32, #tpu.memory_space<vmem>>, vector<16xf32>,
        %add3A_468 = arith.addf %add3A_456, %get3A_467 : vector<16xf32>
        %add3A_469 = arith.constant 19 : i32
        %add3A_470 = arith.addi %mul3A_246, %add3A_469 : i32
        %get3A_471 = arith.index_cast %add3A_470 : i32 to index
        %get3A_472 = arith.constant 0 : index
        %get3A_473 = tpu.vector_load %arg13[%get3A_471, %get3A_472] {strides = array<i32>} : memref<320x128xf32, #tpu.memory_space<vmem>>, vector<16xf32>,
        %add3A_474 = arith.addf %add3A_462, %get3A_473 : vector<16xf32>
        %add3A_475 = arith.constant 19 : i32
        %add3A_476 = arith.addi %mul3A_246, %add3A_475 : i32
        %get3A_477 = arith.index_cast %add3A_476 : i32 to index
        %get3A_478 = arith.constant 16 : index
        %get3A_479 = tpu.vector_load %arg13[%get3A_477, %get3A_478] {strides = array<i32>} : memref<320x128xf32, #tpu.memory_space<vmem>>, vector<16xf32>,
        %add3A_480 = arith.addf %add3A_468, %get3A_479 : vector<16xf32>
        %swap3A_481 = arith.index_cast %scan3A_244 : i32 to index
        %swap3A_482 = arith.constant 0 : index
        %swap3A_483 = tpu.vector_load %arg7[%swap3A_481, %swap3A_482] {strides = array<i32>} : memref<16x32xf32, #tpu.memory_space<vmem>>, vector<16xf32>,
        tpu.vector_store %arg7[%swap3A_481, %swap3A_482], %add3A_474 {strides = array<i32>} : memref<16x32xf32, #tpu.memory_space<vmem>>, vector<16xf32>,
        %swap3A_484 = arith.index_cast %scan3A_244 : i32 to index
        %swap3A_485 = arith.constant 16 : index
        %swap3A_486 = tpu.vector_load %arg7[%swap3A_484, %swap3A_485] {strides = array<i32>} : memref<16x32xf32, #tpu.memory_space<vmem>>, vector<16xf32>,
        tpu.vector_store %arg7[%swap3A_484, %swap3A_485], %add3A_480 {strides = array<i32>} : memref<16x32xf32, #tpu.memory_space<vmem>>, vector<16xf32>,
      }
      %scan3A_233 = arith.constant 16 : i32
      %broadcast_in_dim3A_234 = arith.constant 0.000000e+00 : f32
      %broadcast_in_dim3A_235 = vector.broadcast %broadcast_in_dim3A_234 : f32 to vector<16xf32>
      %scan3A_236 = arith.constant 0 : i32
      %scan3A_237 = arith.constant 32 : i32
      %scan3A_238 = arith.addi %scan3A_236, %scan3A_237 : i32
      %scan3A_239 = arith.constant 1 : i32
      %scan3A_240 = scf.for %scan3A_244 = %scan3A_236 to %scan3A_238 step %scan3A_239 iter_args(%scan3A_245 = %broadcast_in_dim3A_235) -> (vector<16xf32>)  : i32 {
        %broadcast_in_dim3A_246 = vector.broadcast %scan3A_244 : i32 to vector<16xi32>
        %gather3A = tpu.vector_load_idx %arg22[%iota3A, %broadcast_in_dim3A_246] : memref<16x32xf32, #tpu.memory_space<vmem>>[vector<16xi32>, vector<16xi32>], vector<16xf32>,
        %gather3A_247 = tpu.vector_load_idx %arg7[%iota3A, %broadcast_in_dim3A_246] : memref<16x32xf32, #tpu.memory_space<vmem>>[vector<16xi32>, vector<16xi32>], vector<16xf32>,
        %mul3A_248 = arith.mulf %gather3A, %gather3A_247 : vector<16xf32>
        %add3A_249 = arith.addf %scan3A_245, %mul3A_248 : vector<16xf32>
        scf.yield %add3A_249 : vector<16xf32>
      }
      %scan3A_241 = arith.constant 32 : i32
      %swap3A_242 = arith.index_cast %mul3A_127 : i32 to index
      %swap3A_243 = tpu.vector_load %arg11[%swap3A_242] {strides = array<i32>} : memref<512xf32, #tpu.memory_space<vmem>>, vector<16xf32>,
      tpu.vector_store %arg11[%swap3A_242], %scan3A_240 {strides = array<i32>} : memref<512xf32, #tpu.memory_space<vmem>>, vector<16xf32>,
    }
    %scan3A_57 = arith.constant 31 : i32
    %dma_wait3A_58 = arith.constant 0 : i32
    %dma_wait3A_59 = arith.constant 0 : i32
    %dma_wait3A_60 = tpu.memref_slice %arg4[%dma_wait3A_58, %dma_wait3A_59] : memref<25000x128xi32, #tpu.memory_space<hbm>> -> memref<16x128xi32, #tpu.memory_space<hbm>>
    %dma_wait3A_61 = arith.constant 0 : i32
    %dma_wait3A_62 = arith.constant 0 : i32
    %dma_wait3A_63 = tpu.memref_slice %arg4[%dma_wait3A_61, %dma_wait3A_62] : memref<25000x128xi32, #tpu.memory_space<hbm>> -> memref<16x128xi32, #tpu.memory_space<hbm>>
    tpu.wait_dma2 semaphore(%arg21 : memref<!tpu.dma_semaphore, #tpu.memory_space<semaphore_mem>>) src(%dma_wait3A_63 : memref<16x128xi32, #tpu.memory_space<hbm>>) dst(%arg17 : memref<16x128xi32, #tpu.memory_space<vmem>>)
    %get3A_64 = arith.constant 496 : index
    %get3A_65 = tpu.vector_load %arg10[%get3A_64] {strides = array<i32>} : memref<512xi32, #tpu.memory_space<vmem>>, vector<16xi32>,
    %scan3A_66 = arith.constant 0 : i32
    %scan3A_67 = arith.constant 20 : i32
    %scan3A_68 = arith.addi %scan3A_66, %scan3A_67 : i32
    %scan3A_69 = arith.constant 1 : i32
    scf.for %scan3A_125 = %scan3A_66 to %scan3A_68 step %scan3A_69  : i32 {
      %add3A_126 = vector.broadcast %scan3A_125 : i32 to vector<16xi32>
      %add3A_127 = arith.addi %get3A_65, %add3A_126 : vector<16xi32>
      %gather3A = tpu.vector_load_idx %arg17[%iota3A, %add3A_127] : memref<16x128xi32, #tpu.memory_space<vmem>>[vector<16xi32>, vector<16xi32>], vector<16xi32>,
      %add3A_128 = vector.broadcast %scan3A_125 : i32 to vector<16xi32>
      %add3A_129 = arith.addi %mul3A_5, %add3A_128 : vector<16xi32>
      tpu.vector_store_idx %arg15[%add3A_129], %gather3A : memref<320xi32, #tpu.memory_space<vmem>>[vector<16xi32>], vector<16xi32>,
    }
    %scan3A_70 = arith.constant 20 : i32
    %dma_start3A_71 = arith.constant 0 : i32
    %dma_start3A_72 = arith.constant 0 : i32
    %dma_start3A_73 = tpu.memref_slice %arg13[%dma_start3A_71, %dma_start3A_72] : memref<320x128xf32, #tpu.memory_space<vmem>> -> memref<128x128xf32, #tpu.memory_space<vmem>>
    %dma_start3A_74 = arith.constant 0 : i32
    %dma_start3A_75 = tpu.memref_slice %arg15[%dma_start3A_74] : memref<320xi32, #tpu.memory_space<vmem>> -> memref<128xi32, #tpu.memory_space<vmem>>
    %dma_start3A_76 = arith.constant 0 : i32
    %dma_start3A_77 = arith.constant 0 : i32
    %dma_start3A_78 = tpu.memref_slice %arg5[%dma_start3A_76, %dma_start3A_77] : memref<100512x128xf32, #tpu.memory_space<hbm>> -> memref<100512x128xf32, #tpu.memory_space<hbm>>
    tpu.enqueue_indirect_dma source(%dma_start3A_78 : memref<100512x128xf32, #tpu.memory_space<hbm>>) target(%dma_start3A_73 : memref<128x128xf32, #tpu.memory_space<vmem>>) offsets(%dma_start3A_75 : memref<128xi32, #tpu.memory_space<vmem>>) semaphore(%arg19 : memref<!tpu.dma_semaphore, #tpu.memory_space<semaphore_mem>>)
    %dma_start3A_79 = arith.constant 128 : i32
    %dma_start3A_80 = arith.constant 0 : i32
    %dma_start3A_81 = tpu.memref_slice %arg13[%dma_start3A_79, %dma_start3A_80] : memref<320x128xf32, #tpu.memory_space<vmem>> -> memref<128x128xf32, #tpu.memory_space<vmem>>
    %dma_start3A_82 = arith.constant 128 : i32
    %dma_start3A_83 = tpu.memref_slice %arg15[%dma_start3A_82] : memref<320xi32, #tpu.memory_space<vmem>> -> memref<128xi32, #tpu.memory_space<vmem>>
    %dma_start3A_84 = arith.constant 0 : i32
    %dma_start3A_85 = arith.constant 0 : i32
    %dma_start3A_86 = tpu.memref_slice %arg5[%dma_start3A_84, %dma_start3A_85] : memref<100512x128xf32, #tpu.memory_space<hbm>> -> memref<100512x128xf32, #tpu.memory_space<hbm>>
    tpu.enqueue_indirect_dma source(%dma_start3A_86 : memref<100512x128xf32, #tpu.memory_space<hbm>>) target(%dma_start3A_81 : memref<128x128xf32, #tpu.memory_space<vmem>>) offsets(%dma_start3A_83 : memref<128xi32, #tpu.memory_space<vmem>>) semaphore(%arg19 : memref<!tpu.dma_semaphore, #tpu.memory_space<semaphore_mem>>)
    %dma_start3A_87 = arith.constant 256 : i32
    %dma_start3A_88 = arith.constant 0 : i32
    %dma_start3A_89 = tpu.memref_slice %arg13[%dma_start3A_87, %dma_start3A_88] : memref<320x128xf32, #tpu.memory_space<vmem>> -> memref<64x128xf32, #tpu.memory_space<vmem>>
    %dma_start3A_90 = arith.constant 256 : i32
    %dma_start3A_91 = tpu.memref_slice %arg15[%dma_start3A_90] : memref<320xi32, #tpu.memory_space<vmem>> -> memref<64xi32, #tpu.memory_space<vmem>>
    %dma_start3A_92 = arith.constant 0 : i32
    %dma_start3A_93 = arith.constant 0 : i32
    %dma_start3A_94 = tpu.memref_slice %arg5[%dma_start3A_92, %dma_start3A_93] : memref<100512x128xf32, #tpu.memory_space<hbm>> -> memref<100512x128xf32, #tpu.memory_space<hbm>>
    tpu.enqueue_indirect_dma source(%dma_start3A_94 : memref<100512x128xf32, #tpu.memory_space<hbm>>) target(%dma_start3A_89 : memref<64x128xf32, #tpu.memory_space<vmem>>) offsets(%dma_start3A_91 : memref<64xi32, #tpu.memory_space<vmem>>) semaphore(%arg19 : memref<!tpu.dma_semaphore, #tpu.memory_space<semaphore_mem>>)
    %dma_wait3A_95 = arith.constant 0 : i32
    %dma_wait3A_96 = arith.constant 0 : i32
    %dma_wait3A_97 = tpu.memref_slice %arg5[%dma_wait3A_95, %dma_wait3A_96] : memref<100512x128xf32, #tpu.memory_space<hbm>> -> memref<320x128xf32, #tpu.memory_space<hbm>>
    %dma_wait3A_98 = arith.constant 0 : i32
    %dma_wait3A_99 = arith.constant 0 : i32
    %dma_wait3A_100 = tpu.memref_slice %arg5[%dma_wait3A_98, %dma_wait3A_99] : memref<100512x128xf32, #tpu.memory_space<hbm>> -> memref<320x128xf32, #tpu.memory_space<hbm>>
    tpu.wait_dma2 semaphore(%arg18 : memref<!tpu.dma_semaphore, #tpu.memory_space<semaphore_mem>>) src(%dma_wait3A_100 : memref<320x128xf32, #tpu.memory_space<hbm>>) dst(%arg12 : memref<320x128xf32, #tpu.memory_space<vmem>>)
    %scan3A_101 = arith.constant 0 : i32
    %scan3A_102 = arith.constant 16 : i32
    %scan3A_103 = arith.addi %scan3A_101, %scan3A_102 : i32
    %scan3A_104 = arith.constant 1 : i32
    scf.for %scan3A_125 = %scan3A_101 to %scan3A_103 step %scan3A_104  : i32 {
      %mul3A_126 = arith.constant 20 : i32
      %mul3A_127 = arith.muli %scan3A_125, %mul3A_126 : i32
      %get3A_128 = arith.index_cast %mul3A_127 : i32 to index
      %get3A_129 = arith.constant 0 : index
      %get3A_130 = tpu.vector_load %arg12[%get3A_128, %get3A_129] {strides = array<i32>} : memref<320x128xf32, #tpu.memory_space<vmem>>, vector<16xf32>,
      %get3A_131 = arith.index_cast %mul3A_127 : i32 to index
      %get3A_132 = arith.constant 16 : index
      %get3A_133 = tpu.vector_load %arg12[%get3A_131, %get3A_132] {strides = array<i32>} : memref<320x128xf32, #tpu.memory_space<vmem>>, vector<16xf32>,
      %add3A_134 = arith.constant 1 : i32
      %add3A_135 = arith.addi %mul3A_127, %add3A_134 : i32
      %get3A_136 = arith.index_cast %add3A_135 : i32 to index
      %get3A_137 = arith.constant 0 : index
      %get3A_138 = tpu.vector_load %arg12[%get3A_136, %get3A_137] {strides = array<i32>} : memref<320x128xf32, #tpu.memory_space<vmem>>, vector<16xf32>,
      %add3A_139 = arith.addf %get3A_130, %get3A_138 : vector<16xf32>
      %add3A_140 = arith.constant 1 : i32
      %add3A_141 = arith.addi %mul3A_127, %add3A_140 : i32
      %get3A_142 = arith.index_cast %add3A_141 : i32 to index
      %get3A_143 = arith.constant 16 : index
      %get3A_144 = tpu.vector_load %arg12[%get3A_142, %get3A_143] {strides = array<i32>} : memref<320x128xf32, #tpu.memory_space<vmem>>, vector<16xf32>,
      %add3A_145 = arith.addf %get3A_133, %get3A_144 : vector<16xf32>
      %add3A_146 = arith.constant 2 : i32
      %add3A_147 = arith.addi %mul3A_127, %add3A_146 : i32
      %get3A_148 = arith.index_cast %add3A_147 : i32 to index
      %get3A_149 = arith.constant 0 : index
      %get3A_150 = tpu.vector_load %arg12[%get3A_148, %get3A_149] {strides = array<i32>} : memref<320x128xf32, #tpu.memory_space<vmem>>, vector<16xf32>,
      %add3A_151 = arith.addf %add3A_139, %get3A_150 : vector<16xf32>
      %add3A_152 = arith.constant 2 : i32
      %add3A_153 = arith.addi %mul3A_127, %add3A_152 : i32
      %get3A_154 = arith.index_cast %add3A_153 : i32 to index
      %get3A_155 = arith.constant 16 : index
      %get3A_156 = tpu.vector_load %arg12[%get3A_154, %get3A_155] {strides = array<i32>} : memref<320x128xf32, #tpu.memory_space<vmem>>, vector<16xf32>,
      %add3A_157 = arith.addf %add3A_145, %get3A_156 : vector<16xf32>
      %add3A_158 = arith.constant 3 : i32
      %add3A_159 = arith.addi %mul3A_127, %add3A_158 : i32
      %get3A_160 = arith.index_cast %add3A_159 : i32 to index
      %get3A_161 = arith.constant 0 : index
      %get3A_162 = tpu.vector_load %arg12[%get3A_160, %get3A_161] {strides = array<i32>} : memref<320x128xf32, #tpu.memory_space<vmem>>, vector<16xf32>,
      %add3A_163 = arith.addf %add3A_151, %get3A_162 : vector<16xf32>
      %add3A_164 = arith.constant 3 : i32
      %add3A_165 = arith.addi %mul3A_127, %add3A_164 : i32
      %get3A_166 = arith.index_cast %add3A_165 : i32 to index
      %get3A_167 = arith.constant 16 : index
      %get3A_168 = tpu.vector_load %arg12[%get3A_166, %get3A_167] {strides = array<i32>} : memref<320x128xf32, #tpu.memory_space<vmem>>, vector<16xf32>,
      %add3A_169 = arith.addf %add3A_157, %get3A_168 : vector<16xf32>
      %add3A_170 = arith.constant 4 : i32
      %add3A_171 = arith.addi %mul3A_127, %add3A_170 : i32
      %get3A_172 = arith.index_cast %add3A_171 : i32 to index
      %get3A_173 = arith.constant 0 : index
      %get3A_174 = tpu.vector_load %arg12[%get3A_172, %get3A_173] {strides = array<i32>} : memref<320x128xf32, #tpu.memory_space<vmem>>, vector<16xf32>,
      %add3A_175 = arith.addf %add3A_163, %get3A_174 : vector<16xf32>
      %add3A_176 = arith.constant 4 : i32
      %add3A_177 = arith.addi %mul3A_127, %add3A_176 : i32
      %get3A_178 = arith.index_cast %add3A_177 : i32 to index
      %get3A_179 = arith.constant 16 : index
      %get3A_180 = tpu.vector_load %arg12[%get3A_178, %get3A_179] {strides = array<i32>} : memref<320x128xf32, #tpu.memory_space<vmem>>, vector<16xf32>,
      %add3A_181 = arith.addf %add3A_169, %get3A_180 : vector<16xf32>
      %add3A_182 = arith.constant 5 : i32
      %add3A_183 = arith.addi %mul3A_127, %add3A_182 : i32
      %get3A_184 = arith.index_cast %add3A_183 : i32 to index
      %get3A_185 = arith.constant 0 : index
      %get3A_186 = tpu.vector_load %arg12[%get3A_184, %get3A_185] {strides = array<i32>} : memref<320x128xf32, #tpu.memory_space<vmem>>, vector<16xf32>,
      %add3A_187 = arith.addf %add3A_175, %get3A_186 : vector<16xf32>
      %add3A_188 = arith.constant 5 : i32
      %add3A_189 = arith.addi %mul3A_127, %add3A_188 : i32
      %get3A_190 = arith.index_cast %add3A_189 : i32 to index
      %get3A_191 = arith.constant 16 : index
      %get3A_192 = tpu.vector_load %arg12[%get3A_190, %get3A_191] {strides = array<i32>} : memref<320x128xf32, #tpu.memory_space<vmem>>, vector<16xf32>,
      %add3A_193 = arith.addf %add3A_181, %get3A_192 : vector<16xf32>
      %add3A_194 = arith.constant 6 : i32
      %add3A_195 = arith.addi %mul3A_127, %add3A_194 : i32
      %get3A_196 = arith.index_cast %add3A_195 : i32 to index
      %get3A_197 = arith.constant 0 : index
      %get3A_198 = tpu.vector_load %arg12[%get3A_196, %get3A_197] {strides = array<i32>} : memref<320x128xf32, #tpu.memory_space<vmem>>, vector<16xf32>,
      %add3A_199 = arith.addf %add3A_187, %get3A_198 : vector<16xf32>
      %add3A_200 = arith.constant 6 : i32
      %add3A_201 = arith.addi %mul3A_127, %add3A_200 : i32
      %get3A_202 = arith.index_cast %add3A_201 : i32 to index
      %get3A_203 = arith.constant 16 : index
      %get3A_204 = tpu.vector_load %arg12[%get3A_202, %get3A_203] {strides = array<i32>} : memref<320x128xf32, #tpu.memory_space<vmem>>, vector<16xf32>,
      %add3A_205 = arith.addf %add3A_193, %get3A_204 : vector<16xf32>
      %add3A_206 = arith.constant 7 : i32
      %add3A_207 = arith.addi %mul3A_127, %add3A_206 : i32
      %get3A_208 = arith.index_cast %add3A_207 : i32 to index
      %get3A_209 = arith.constant 0 : index
      %get3A_210 = tpu.vector_load %arg12[%get3A_208, %get3A_209] {strides = array<i32>} : memref<320x128xf32, #tpu.memory_space<vmem>>, vector<16xf32>,
      %add3A_211 = arith.addf %add3A_199, %get3A_210 : vector<16xf32>
      %add3A_212 = arith.constant 7 : i32
      %add3A_213 = arith.addi %mul3A_127, %add3A_212 : i32
      %get3A_214 = arith.index_cast %add3A_213 : i32 to index
      %get3A_215 = arith.constant 16 : index
      %get3A_216 = tpu.vector_load %arg12[%get3A_214, %get3A_215] {strides = array<i32>} : memref<320x128xf32, #tpu.memory_space<vmem>>, vector<16xf32>,
      %add3A_217 = arith.addf %add3A_205, %get3A_216 : vector<16xf32>
      %add3A_218 = arith.constant 8 : i32
      %add3A_219 = arith.addi %mul3A_127, %add3A_218 : i32
      %get3A_220 = arith.index_cast %add3A_219 : i32 to index
      %get3A_221 = arith.constant 0 : index
      %get3A_222 = tpu.vector_load %arg12[%get3A_220, %get3A_221] {strides = array<i32>} : memref<320x128xf32, #tpu.memory_space<vmem>>, vector<16xf32>,
      %add3A_223 = arith.addf %add3A_211, %get3A_222 : vector<16xf32>
      %add3A_224 = arith.constant 8 : i32
      %add3A_225 = arith.addi %mul3A_127, %add3A_224 : i32
      %get3A_226 = arith.index_cast %add3A_225 : i32 to index
      %get3A_227 = arith.constant 16 : index
      %get3A_228 = tpu.vector_load %arg12[%get3A_226, %get3A_227] {strides = array<i32>} : memref<320x128xf32, #tpu.memory_space<vmem>>, vector<16xf32>,
      %add3A_229 = arith.addf %add3A_217, %get3A_228 : vector<16xf32>
      %add3A_230 = arith.constant 9 : i32
      %add3A_231 = arith.addi %mul3A_127, %add3A_230 : i32
      %get3A_232 = arith.index_cast %add3A_231 : i32 to index
      %get3A_233 = arith.constant 0 : index
      %get3A_234 = tpu.vector_load %arg12[%get3A_232, %get3A_233] {strides = array<i32>} : memref<320x128xf32, #tpu.memory_space<vmem>>, vector<16xf32>,
      %add3A_235 = arith.addf %add3A_223, %get3A_234 : vector<16xf32>
      %add3A_236 = arith.constant 9 : i32
      %add3A_237 = arith.addi %mul3A_127, %add3A_236 : i32
      %get3A_238 = arith.index_cast %add3A_237 : i32 to index
      %get3A_239 = arith.constant 16 : index
      %get3A_240 = tpu.vector_load %arg12[%get3A_238, %get3A_239] {strides = array<i32>} : memref<320x128xf32, #tpu.memory_space<vmem>>, vector<16xf32>,
      %add3A_241 = arith.addf %add3A_229, %get3A_240 : vector<16xf32>
      %add3A_242 = arith.constant 10 : i32
      %add3A_243 = arith.addi %mul3A_127, %add3A_242 : i32
      %get3A_244 = arith.index_cast %add3A_243 : i32 to index
      %get3A_245 = arith.constant 0 : index
      %get3A_246 = tpu.vector_load %arg12[%get3A_244, %get3A_245] {strides = array<i32>} : memref<320x128xf32, #tpu.memory_space<vmem>>, vector<16xf32>,
      %add3A_247 = arith.addf %add3A_235, %get3A_246 : vector<16xf32>
      %add3A_248 = arith.constant 10 : i32
      %add3A_249 = arith.addi %mul3A_127, %add3A_248 : i32
      %get3A_250 = arith.index_cast %add3A_249 : i32 to index
      %get3A_251 = arith.constant 16 : index
      %get3A_252 = tpu.vector_load %arg12[%get3A_250, %get3A_251] {strides = array<i32>} : memref<320x128xf32, #tpu.memory_space<vmem>>, vector<16xf32>,
      %add3A_253 = arith.addf %add3A_241, %get3A_252 : vector<16xf32>
      %add3A_254 = arith.constant 11 : i32
      %add3A_255 = arith.addi %mul3A_127, %add3A_254 : i32
      %get3A_256 = arith.index_cast %add3A_255 : i32 to index
      %get3A_257 = arith.constant 0 : index
      %get3A_258 = tpu.vector_load %arg12[%get3A_256, %get3A_257] {strides = array<i32>} : memref<320x128xf32, #tpu.memory_space<vmem>>, vector<16xf32>,
      %add3A_259 = arith.addf %add3A_247, %get3A_258 : vector<16xf32>
      %add3A_260 = arith.constant 11 : i32
      %add3A_261 = arith.addi %mul3A_127, %add3A_260 : i32
      %get3A_262 = arith.index_cast %add3A_261 : i32 to index
      %get3A_263 = arith.constant 16 : index
      %get3A_264 = tpu.vector_load %arg12[%get3A_262, %get3A_263] {strides = array<i32>} : memref<320x128xf32, #tpu.memory_space<vmem>>, vector<16xf32>,
      %add3A_265 = arith.addf %add3A_253, %get3A_264 : vector<16xf32>
      %add3A_266 = arith.constant 12 : i32
      %add3A_267 = arith.addi %mul3A_127, %add3A_266 : i32
      %get3A_268 = arith.index_cast %add3A_267 : i32 to index
      %get3A_269 = arith.constant 0 : index
      %get3A_270 = tpu.vector_load %arg12[%get3A_268, %get3A_269] {strides = array<i32>} : memref<320x128xf32, #tpu.memory_space<vmem>>, vector<16xf32>,
      %add3A_271 = arith.addf %add3A_259, %get3A_270 : vector<16xf32>
      %add3A_272 = arith.constant 12 : i32
      %add3A_273 = arith.addi %mul3A_127, %add3A_272 : i32
      %get3A_274 = arith.index_cast %add3A_273 : i32 to index
      %get3A_275 = arith.constant 16 : index
      %get3A_276 = tpu.vector_load %arg12[%get3A_274, %get3A_275] {strides = array<i32>} : memref<320x128xf32, #tpu.memory_space<vmem>>, vector<16xf32>,
      %add3A_277 = arith.addf %add3A_265, %get3A_276 : vector<16xf32>
      %add3A_278 = arith.constant 13 : i32
      %add3A_279 = arith.addi %mul3A_127, %add3A_278 : i32
      %get3A_280 = arith.index_cast %add3A_279 : i32 to index
      %get3A_281 = arith.constant 0 : index
      %get3A_282 = tpu.vector_load %arg12[%get3A_280, %get3A_281] {strides = array<i32>} : memref<320x128xf32, #tpu.memory_space<vmem>>, vector<16xf32>,
      %add3A_283 = arith.addf %add3A_271, %get3A_282 : vector<16xf32>
      %add3A_284 = arith.constant 13 : i32
      %add3A_285 = arith.addi %mul3A_127, %add3A_284 : i32
      %get3A_286 = arith.index_cast %add3A_285 : i32 to index
      %get3A_287 = arith.constant 16 : index
      %get3A_288 = tpu.vector_load %arg12[%get3A_286, %get3A_287] {strides = array<i32>} : memref<320x128xf32, #tpu.memory_space<vmem>>, vector<16xf32>,
      %add3A_289 = arith.addf %add3A_277, %get3A_288 : vector<16xf32>
      %add3A_290 = arith.constant 14 : i32
      %add3A_291 = arith.addi %mul3A_127, %add3A_290 : i32
      %get3A_292 = arith.index_cast %add3A_291 : i32 to index
      %get3A_293 = arith.constant 0 : index
      %get3A_294 = tpu.vector_load %arg12[%get3A_292, %get3A_293] {strides = array<i32>} : memref<320x128xf32, #tpu.memory_space<vmem>>, vector<16xf32>,
      %add3A_295 = arith.addf %add3A_283, %get3A_294 : vector<16xf32>
      %add3A_296 = arith.constant 14 : i32
      %add3A_297 = arith.addi %mul3A_127, %add3A_296 : i32
      %get3A_298 = arith.index_cast %add3A_297 : i32 to index
      %get3A_299 = arith.constant 16 : index
      %get3A_300 = tpu.vector_load %arg12[%get3A_298, %get3A_299] {strides = array<i32>} : memref<320x128xf32, #tpu.memory_space<vmem>>, vector<16xf32>,
      %add3A_301 = arith.addf %add3A_289, %get3A_300 : vector<16xf32>
      %add3A_302 = arith.constant 15 : i32
      %add3A_303 = arith.addi %mul3A_127, %add3A_302 : i32
      %get3A_304 = arith.index_cast %add3A_303 : i32 to index
      %get3A_305 = arith.constant 0 : index
      %get3A_306 = tpu.vector_load %arg12[%get3A_304, %get3A_305] {strides = array<i32>} : memref<320x128xf32, #tpu.memory_space<vmem>>, vector<16xf32>,
      %add3A_307 = arith.addf %add3A_295, %get3A_306 : vector<16xf32>
      %add3A_308 = arith.constant 15 : i32
      %add3A_309 = arith.addi %mul3A_127, %add3A_308 : i32
      %get3A_310 = arith.index_cast %add3A_309 : i32 to index
      %get3A_311 = arith.constant 16 : index
      %get3A_312 = tpu.vector_load %arg12[%get3A_310, %get3A_311] {strides = array<i32>} : memref<320x128xf32, #tpu.memory_space<vmem>>, vector<16xf32>,
      %add3A_313 = arith.addf %add3A_301, %get3A_312 : vector<16xf32>
      %add3A_314 = arith.constant 16 : i32
      %add3A_315 = arith.addi %mul3A_127, %add3A_314 : i32
      %get3A_316 = arith.index_cast %add3A_315 : i32 to index
      %get3A_317 = arith.constant 0 : index
      %get3A_318 = tpu.vector_load %arg12[%get3A_316, %get3A_317] {strides = array<i32>} : memref<320x128xf32, #tpu.memory_space<vmem>>, vector<16xf32>,
      %add3A_319 = arith.addf %add3A_307, %get3A_318 : vector<16xf32>
      %add3A_320 = arith.constant 16 : i32
      %add3A_321 = arith.addi %mul3A_127, %add3A_320 : i32
      %get3A_322 = arith.index_cast %add3A_321 : i32 to index
      %get3A_323 = arith.constant 16 : index
      %get3A_324 = tpu.vector_load %arg12[%get3A_322, %get3A_323] {strides = array<i32>} : memref<320x128xf32, #tpu.memory_space<vmem>>, vector<16xf32>,
      %add3A_325 = arith.addf %add3A_313, %get3A_324 : vector<16xf32>
      %add3A_326 = arith.constant 17 : i32
      %add3A_327 = arith.addi %mul3A_127, %add3A_326 : i32
      %get3A_328 = arith.index_cast %add3A_327 : i32 to index
      %get3A_329 = arith.constant 0 : index
      %get3A_330 = tpu.vector_load %arg12[%get3A_328, %get3A_329] {strides = array<i32>} : memref<320x128xf32, #tpu.memory_space<vmem>>, vector<16xf32>,
      %add3A_331 = arith.addf %add3A_319, %get3A_330 : vector<16xf32>
      %add3A_332 = arith.constant 17 : i32
      %add3A_333 = arith.addi %mul3A_127, %add3A_332 : i32
      %get3A_334 = arith.index_cast %add3A_333 : i32 to index
      %get3A_335 = arith.constant 16 : index
      %get3A_336 = tpu.vector_load %arg12[%get3A_334, %get3A_335] {strides = array<i32>} : memref<320x128xf32, #tpu.memory_space<vmem>>, vector<16xf32>,
      %add3A_337 = arith.addf %add3A_325, %get3A_336 : vector<16xf32>
      %add3A_338 = arith.constant 18 : i32
      %add3A_339 = arith.addi %mul3A_127, %add3A_338 : i32
      %get3A_340 = arith.index_cast %add3A_339 : i32 to index
      %get3A_341 = arith.constant 0 : index
      %get3A_342 = tpu.vector_load %arg12[%get3A_340, %get3A_341] {strides = array<i32>} : memref<320x128xf32, #tpu.memory_space<vmem>>, vector<16xf32>,
      %add3A_343 = arith.addf %add3A_331, %get3A_342 : vector<16xf32>
      %add3A_344 = arith.constant 18 : i32
      %add3A_345 = arith.addi %mul3A_127, %add3A_344 : i32
      %get3A_346 = arith.index_cast %add3A_345 : i32 to index
      %get3A_347 = arith.constant 16 : index
      %get3A_348 = tpu.vector_load %arg12[%get3A_346, %get3A_347] {strides = array<i32>} : memref<320x128xf32, #tpu.memory_space<vmem>>, vector<16xf32>,
      %add3A_349 = arith.addf %add3A_337, %get3A_348 : vector<16xf32>
      %add3A_350 = arith.constant 19 : i32
      %add3A_351 = arith.addi %mul3A_127, %add3A_350 : i32
      %get3A_352 = arith.index_cast %add3A_351 : i32 to index
      %get3A_353 = arith.constant 0 : index
      %get3A_354 = tpu.vector_load %arg12[%get3A_352, %get3A_353] {strides = array<i32>} : memref<320x128xf32, #tpu.memory_space<vmem>>, vector<16xf32>,
      %add3A_355 = arith.addf %add3A_343, %get3A_354 : vector<16xf32>
      %add3A_356 = arith.constant 19 : i32
      %add3A_357 = arith.addi %mul3A_127, %add3A_356 : i32
      %get3A_358 = arith.index_cast %add3A_357 : i32 to index
      %get3A_359 = arith.constant 16 : index
      %get3A_360 = tpu.vector_load %arg12[%get3A_358, %get3A_359] {strides = array<i32>} : memref<320x128xf32, #tpu.memory_space<vmem>>, vector<16xf32>,
      %add3A_361 = arith.addf %add3A_349, %get3A_360 : vector<16xf32>
      %swap3A_362 = arith.index_cast %scan3A_125 : i32 to index
      %swap3A_363 = arith.constant 0 : index
      %swap3A_364 = tpu.vector_load %arg22[%swap3A_362, %swap3A_363] {strides = array<i32>} : memref<16x32xf32, #tpu.memory_space<vmem>>, vector<16xf32>,
      tpu.vector_store %arg22[%swap3A_362, %swap3A_363], %add3A_355 {strides = array<i32>} : memref<16x32xf32, #tpu.memory_space<vmem>>, vector<16xf32>,
      %swap3A_365 = arith.index_cast %scan3A_125 : i32 to index
      %swap3A_366 = arith.constant 16 : index
      %swap3A_367 = tpu.vector_load %arg22[%swap3A_365, %swap3A_366] {strides = array<i32>} : memref<16x32xf32, #tpu.memory_space<vmem>>, vector<16xf32>,
      tpu.vector_store %arg22[%swap3A_365, %swap3A_366], %add3A_361 {strides = array<i32>} : memref<16x32xf32, #tpu.memory_space<vmem>>, vector<16xf32>,
    }
    %scan3A_105 = arith.constant 16 : i32
    %dma_wait3A_106 = arith.constant 0 : i32
    %dma_wait3A_107 = arith.constant 0 : i32
    %dma_wait3A_108 = tpu.memref_slice %arg5[%dma_wait3A_106, %dma_wait3A_107] : memref<100512x128xf32, #tpu.memory_space<hbm>> -> memref<320x128xf32, #tpu.memory_space<hbm>>
    %dma_wait3A_109 = arith.constant 0 : i32
    %dma_wait3A_110 = arith.constant 0 : i32
    %dma_wait3A_111 = tpu.memref_slice %arg5[%dma_wait3A_109, %dma_wait3A_110] : memref<100512x128xf32, #tpu.memory_space<hbm>> -> memref<320x128xf32, #tpu.memory_space<hbm>>
    tpu.wait_dma2 semaphore(%arg19 : memref<!tpu.dma_semaphore, #tpu.memory_space<semaphore_mem>>) src(%dma_wait3A_111 : memref<320x128xf32, #tpu.memory_space<hbm>>) dst(%arg13 : memref<320x128xf32, #tpu.memory_space<vmem>>)
    %scan3A_112 = arith.constant 0 : i32
    %scan3A_113 = arith.constant 16 : i32
    %scan3A_114 = arith.addi %scan3A_112, %scan3A_113 : i32
    %scan3A_115 = arith.constant 1 : i32
    scf.for %scan3A_125 = %scan3A_112 to %scan3A_114 step %scan3A_115  : i32 {
      %mul3A_126 = arith.constant 20 : i32
      %mul3A_127 = arith.muli %scan3A_125, %mul3A_126 : i32
      %get3A_128 = arith.index_cast %mul3A_127 : i32 to index
      %get3A_129 = arith.constant 0 : index
      %get3A_130 = tpu.vector_load %arg13[%get3A_128, %get3A_129] {strides = array<i32>} : memref<320x128xf32, #tpu.memory_space<vmem>>, vector<16xf32>,
      %get3A_131 = arith.index_cast %mul3A_127 : i32 to index
      %get3A_132 = arith.constant 16 : index
      %get3A_133 = tpu.vector_load %arg13[%get3A_131, %get3A_132] {strides = array<i32>} : memref<320x128xf32, #tpu.memory_space<vmem>>, vector<16xf32>,
      %add3A_134 = arith.constant 1 : i32
      %add3A_135 = arith.addi %mul3A_127, %add3A_134 : i32
      %get3A_136 = arith.index_cast %add3A_135 : i32 to index
      %get3A_137 = arith.constant 0 : index
      %get3A_138 = tpu.vector_load %arg13[%get3A_136, %get3A_137] {strides = array<i32>} : memref<320x128xf32, #tpu.memory_space<vmem>>, vector<16xf32>,
      %add3A_139 = arith.addf %get3A_130, %get3A_138 : vector<16xf32>
      %add3A_140 = arith.constant 1 : i32
      %add3A_141 = arith.addi %mul3A_127, %add3A_140 : i32
      %get3A_142 = arith.index_cast %add3A_141 : i32 to index
      %get3A_143 = arith.constant 16 : index
      %get3A_144 = tpu.vector_load %arg13[%get3A_142, %get3A_143] {strides = array<i32>} : memref<320x128xf32, #tpu.memory_space<vmem>>, vector<16xf32>,
      %add3A_145 = arith.addf %get3A_133, %get3A_144 : vector<16xf32>
      %add3A_146 = arith.constant 2 : i32
      %add3A_147 = arith.addi %mul3A_127, %add3A_146 : i32
      %get3A_148 = arith.index_cast %add3A_147 : i32 to index
      %get3A_149 = arith.constant 0 : index
      %get3A_150 = tpu.vector_load %arg13[%get3A_148, %get3A_149] {strides = array<i32>} : memref<320x128xf32, #tpu.memory_space<vmem>>, vector<16xf32>,
      %add3A_151 = arith.addf %add3A_139, %get3A_150 : vector<16xf32>
      %add3A_152 = arith.constant 2 : i32
      %add3A_153 = arith.addi %mul3A_127, %add3A_152 : i32
      %get3A_154 = arith.index_cast %add3A_153 : i32 to index
      %get3A_155 = arith.constant 16 : index
      %get3A_156 = tpu.vector_load %arg13[%get3A_154, %get3A_155] {strides = array<i32>} : memref<320x128xf32, #tpu.memory_space<vmem>>, vector<16xf32>,
      %add3A_157 = arith.addf %add3A_145, %get3A_156 : vector<16xf32>
      %add3A_158 = arith.constant 3 : i32
      %add3A_159 = arith.addi %mul3A_127, %add3A_158 : i32
      %get3A_160 = arith.index_cast %add3A_159 : i32 to index
      %get3A_161 = arith.constant 0 : index
      %get3A_162 = tpu.vector_load %arg13[%get3A_160, %get3A_161] {strides = array<i32>} : memref<320x128xf32, #tpu.memory_space<vmem>>, vector<16xf32>,
      %add3A_163 = arith.addf %add3A_151, %get3A_162 : vector<16xf32>
      %add3A_164 = arith.constant 3 : i32
      %add3A_165 = arith.addi %mul3A_127, %add3A_164 : i32
      %get3A_166 = arith.index_cast %add3A_165 : i32 to index
      %get3A_167 = arith.constant 16 : index
      %get3A_168 = tpu.vector_load %arg13[%get3A_166, %get3A_167] {strides = array<i32>} : memref<320x128xf32, #tpu.memory_space<vmem>>, vector<16xf32>,
      %add3A_169 = arith.addf %add3A_157, %get3A_168 : vector<16xf32>
      %add3A_170 = arith.constant 4 : i32
      %add3A_171 = arith.addi %mul3A_127, %add3A_170 : i32
      %get3A_172 = arith.index_cast %add3A_171 : i32 to index
      %get3A_173 = arith.constant 0 : index
      %get3A_174 = tpu.vector_load %arg13[%get3A_172, %get3A_173] {strides = array<i32>} : memref<320x128xf32, #tpu.memory_space<vmem>>, vector<16xf32>,
      %add3A_175 = arith.addf %add3A_163, %get3A_174 : vector<16xf32>
      %add3A_176 = arith.constant 4 : i32
      %add3A_177 = arith.addi %mul3A_127, %add3A_176 : i32
      %get3A_178 = arith.index_cast %add3A_177 : i32 to index
      %get3A_179 = arith.constant 16 : index
      %get3A_180 = tpu.vector_load %arg13[%get3A_178, %get3A_179] {strides = array<i32>} : memref<320x128xf32, #tpu.memory_space<vmem>>, vector<16xf32>,
      %add3A_181 = arith.addf %add3A_169, %get3A_180 : vector<16xf32>
      %add3A_182 = arith.constant 5 : i32
      %add3A_183 = arith.addi %mul3A_127, %add3A_182 : i32
      %get3A_184 = arith.index_cast %add3A_183 : i32 to index
      %get3A_185 = arith.constant 0 : index
      %get3A_186 = tpu.vector_load %arg13[%get3A_184, %get3A_185] {strides = array<i32>} : memref<320x128xf32, #tpu.memory_space<vmem>>, vector<16xf32>,
      %add3A_187 = arith.addf %add3A_175, %get3A_186 : vector<16xf32>
      %add3A_188 = arith.constant 5 : i32
      %add3A_189 = arith.addi %mul3A_127, %add3A_188 : i32
      %get3A_190 = arith.index_cast %add3A_189 : i32 to index
      %get3A_191 = arith.constant 16 : index
      %get3A_192 = tpu.vector_load %arg13[%get3A_190, %get3A_191] {strides = array<i32>} : memref<320x128xf32, #tpu.memory_space<vmem>>, vector<16xf32>,
      %add3A_193 = arith.addf %add3A_181, %get3A_192 : vector<16xf32>
      %add3A_194 = arith.constant 6 : i32
      %add3A_195 = arith.addi %mul3A_127, %add3A_194 : i32
      %get3A_196 = arith.index_cast %add3A_195 : i32 to index
      %get3A_197 = arith.constant 0 : index
      %get3A_198 = tpu.vector_load %arg13[%get3A_196, %get3A_197] {strides = array<i32>} : memref<320x128xf32, #tpu.memory_space<vmem>>, vector<16xf32>,
      %add3A_199 = arith.addf %add3A_187, %get3A_198 : vector<16xf32>
      %add3A_200 = arith.constant 6 : i32
      %add3A_201 = arith.addi %mul3A_127, %add3A_200 : i32
      %get3A_202 = arith.index_cast %add3A_201 : i32 to index
      %get3A_203 = arith.constant 16 : index
      %get3A_204 = tpu.vector_load %arg13[%get3A_202, %get3A_203] {strides = array<i32>} : memref<320x128xf32, #tpu.memory_space<vmem>>, vector<16xf32>,
      %add3A_205 = arith.addf %add3A_193, %get3A_204 : vector<16xf32>
      %add3A_206 = arith.constant 7 : i32
      %add3A_207 = arith.addi %mul3A_127, %add3A_206 : i32
      %get3A_208 = arith.index_cast %add3A_207 : i32 to index
      %get3A_209 = arith.constant 0 : index
      %get3A_210 = tpu.vector_load %arg13[%get3A_208, %get3A_209] {strides = array<i32>} : memref<320x128xf32, #tpu.memory_space<vmem>>, vector<16xf32>,
      %add3A_211 = arith.addf %add3A_199, %get3A_210 : vector<16xf32>
      %add3A_212 = arith.constant 7 : i32
      %add3A_213 = arith.addi %mul3A_127, %add3A_212 : i32
      %get3A_214 = arith.index_cast %add3A_213 : i32 to index
      %get3A_215 = arith.constant 16 : index
      %get3A_216 = tpu.vector_load %arg13[%get3A_214, %get3A_215] {strides = array<i32>} : memref<320x128xf32, #tpu.memory_space<vmem>>, vector<16xf32>,
      %add3A_217 = arith.addf %add3A_205, %get3A_216 : vector<16xf32>
      %add3A_218 = arith.constant 8 : i32
      %add3A_219 = arith.addi %mul3A_127, %add3A_218 : i32
      %get3A_220 = arith.index_cast %add3A_219 : i32 to index
      %get3A_221 = arith.constant 0 : index
      %get3A_222 = tpu.vector_load %arg13[%get3A_220, %get3A_221] {strides = array<i32>} : memref<320x128xf32, #tpu.memory_space<vmem>>, vector<16xf32>,
      %add3A_223 = arith.addf %add3A_211, %get3A_222 : vector<16xf32>
      %add3A_224 = arith.constant 8 : i32
      %add3A_225 = arith.addi %mul3A_127, %add3A_224 : i32
      %get3A_226 = arith.index_cast %add3A_225 : i32 to index
      %get3A_227 = arith.constant 16 : index
      %get3A_228 = tpu.vector_load %arg13[%get3A_226, %get3A_227] {strides = array<i32>} : memref<320x128xf32, #tpu.memory_space<vmem>>, vector<16xf32>,
      %add3A_229 = arith.addf %add3A_217, %get3A_228 : vector<16xf32>
      %add3A_230 = arith.constant 9 : i32
      %add3A_231 = arith.addi %mul3A_127, %add3A_230 : i32
      %get3A_232 = arith.index_cast %add3A_231 : i32 to index
      %get3A_233 = arith.constant 0 : index
      %get3A_234 = tpu.vector_load %arg13[%get3A_232, %get3A_233] {strides = array<i32>} : memref<320x128xf32, #tpu.memory_space<vmem>>, vector<16xf32>,
      %add3A_235 = arith.addf %add3A_223, %get3A_234 : vector<16xf32>
      %add3A_236 = arith.constant 9 : i32
      %add3A_237 = arith.addi %mul3A_127, %add3A_236 : i32
      %get3A_238 = arith.index_cast %add3A_237 : i32 to index
      %get3A_239 = arith.constant 16 : index
      %get3A_240 = tpu.vector_load %arg13[%get3A_238, %get3A_239] {strides = array<i32>} : memref<320x128xf32, #tpu.memory_space<vmem>>, vector<16xf32>,
      %add3A_241 = arith.addf %add3A_229, %get3A_240 : vector<16xf32>
      %add3A_242 = arith.constant 10 : i32
      %add3A_243 = arith.addi %mul3A_127, %add3A_242 : i32
      %get3A_244 = arith.index_cast %add3A_243 : i32 to index
      %get3A_245 = arith.constant 0 : index
      %get3A_246 = tpu.vector_load %arg13[%get3A_244, %get3A_245] {strides = array<i32>} : memref<320x128xf32, #tpu.memory_space<vmem>>, vector<16xf32>,
      %add3A_247 = arith.addf %add3A_235, %get3A_246 : vector<16xf32>
      %add3A_248 = arith.constant 10 : i32
      %add3A_249 = arith.addi %mul3A_127, %add3A_248 : i32
      %get3A_250 = arith.index_cast %add3A_249 : i32 to index
      %get3A_251 = arith.constant 16 : index
      %get3A_252 = tpu.vector_load %arg13[%get3A_250, %get3A_251] {strides = array<i32>} : memref<320x128xf32, #tpu.memory_space<vmem>>, vector<16xf32>,
      %add3A_253 = arith.addf %add3A_241, %get3A_252 : vector<16xf32>
      %add3A_254 = arith.constant 11 : i32
      %add3A_255 = arith.addi %mul3A_127, %add3A_254 : i32
      %get3A_256 = arith.index_cast %add3A_255 : i32 to index
      %get3A_257 = arith.constant 0 : index
      %get3A_258 = tpu.vector_load %arg13[%get3A_256, %get3A_257] {strides = array<i32>} : memref<320x128xf32, #tpu.memory_space<vmem>>, vector<16xf32>,
      %add3A_259 = arith.addf %add3A_247, %get3A_258 : vector<16xf32>
      %add3A_260 = arith.constant 11 : i32
      %add3A_261 = arith.addi %mul3A_127, %add3A_260 : i32
      %get3A_262 = arith.index_cast %add3A_261 : i32 to index
      %get3A_263 = arith.constant 16 : index
      %get3A_264 = tpu.vector_load %arg13[%get3A_262, %get3A_263] {strides = array<i32>} : memref<320x128xf32, #tpu.memory_space<vmem>>, vector<16xf32>,
      %add3A_265 = arith.addf %add3A_253, %get3A_264 : vector<16xf32>
      %add3A_266 = arith.constant 12 : i32
      %add3A_267 = arith.addi %mul3A_127, %add3A_266 : i32
      %get3A_268 = arith.index_cast %add3A_267 : i32 to index
      %get3A_269 = arith.constant 0 : index
      %get3A_270 = tpu.vector_load %arg13[%get3A_268, %get3A_269] {strides = array<i32>} : memref<320x128xf32, #tpu.memory_space<vmem>>, vector<16xf32>,
      %add3A_271 = arith.addf %add3A_259, %get3A_270 : vector<16xf32>
      %add3A_272 = arith.constant 12 : i32
      %add3A_273 = arith.addi %mul3A_127, %add3A_272 : i32
      %get3A_274 = arith.index_cast %add3A_273 : i32 to index
      %get3A_275 = arith.constant 16 : index
      %get3A_276 = tpu.vector_load %arg13[%get3A_274, %get3A_275] {strides = array<i32>} : memref<320x128xf32, #tpu.memory_space<vmem>>, vector<16xf32>,
      %add3A_277 = arith.addf %add3A_265, %get3A_276 : vector<16xf32>
      %add3A_278 = arith.constant 13 : i32
      %add3A_279 = arith.addi %mul3A_127, %add3A_278 : i32
      %get3A_280 = arith.index_cast %add3A_279 : i32 to index
      %get3A_281 = arith.constant 0 : index
      %get3A_282 = tpu.vector_load %arg13[%get3A_280, %get3A_281] {strides = array<i32>} : memref<320x128xf32, #tpu.memory_space<vmem>>, vector<16xf32>,
      %add3A_283 = arith.addf %add3A_271, %get3A_282 : vector<16xf32>
      %add3A_284 = arith.constant 13 : i32
      %add3A_285 = arith.addi %mul3A_127, %add3A_284 : i32
      %get3A_286 = arith.index_cast %add3A_285 : i32 to index
      %get3A_287 = arith.constant 16 : index
      %get3A_288 = tpu.vector_load %arg13[%get3A_286, %get3A_287] {strides = array<i32>} : memref<320x128xf32, #tpu.memory_space<vmem>>, vector<16xf32>,
      %add3A_289 = arith.addf %add3A_277, %get3A_288 : vector<16xf32>
      %add3A_290 = arith.constant 14 : i32
      %add3A_291 = arith.addi %mul3A_127, %add3A_290 : i32
      %get3A_292 = arith.index_cast %add3A_291 : i32 to index
      %get3A_293 = arith.constant 0 : index
      %get3A_294 = tpu.vector_load %arg13[%get3A_292, %get3A_293] {strides = array<i32>} : memref<320x128xf32, #tpu.memory_space<vmem>>, vector<16xf32>,
      %add3A_295 = arith.addf %add3A_283, %get3A_294 : vector<16xf32>
      %add3A_296 = arith.constant 14 : i32
      %add3A_297 = arith.addi %mul3A_127, %add3A_296 : i32
      %get3A_298 = arith.index_cast %add3A_297 : i32 to index
      %get3A_299 = arith.constant 16 : index
      %get3A_300 = tpu.vector_load %arg13[%get3A_298, %get3A_299] {strides = array<i32>} : memref<320x128xf32, #tpu.memory_space<vmem>>, vector<16xf32>,
      %add3A_301 = arith.addf %add3A_289, %get3A_300 : vector<16xf32>
      %add3A_302 = arith.constant 15 : i32
      %add3A_303 = arith.addi %mul3A_127, %add3A_302 : i32
      %get3A_304 = arith.index_cast %add3A_303 : i32 to index
      %get3A_305 = arith.constant 0 : index
      %get3A_306 = tpu.vector_load %arg13[%get3A_304, %get3A_305] {strides = array<i32>} : memref<320x128xf32, #tpu.memory_space<vmem>>, vector<16xf32>,
      %add3A_307 = arith.addf %add3A_295, %get3A_306 : vector<16xf32>
      %add3A_308 = arith.constant 15 : i32
      %add3A_309 = arith.addi %mul3A_127, %add3A_308 : i32
      %get3A_310 = arith.index_cast %add3A_309 : i32 to index
      %get3A_311 = arith.constant 16 : index
      %get3A_312 = tpu.vector_load %arg13[%get3A_310, %get3A_311] {strides = array<i32>} : memref<320x128xf32, #tpu.memory_space<vmem>>, vector<16xf32>,
      %add3A_313 = arith.addf %add3A_301, %get3A_312 : vector<16xf32>
      %add3A_314 = arith.constant 16 : i32
      %add3A_315 = arith.addi %mul3A_127, %add3A_314 : i32
      %get3A_316 = arith.index_cast %add3A_315 : i32 to index
      %get3A_317 = arith.constant 0 : index
      %get3A_318 = tpu.vector_load %arg13[%get3A_316, %get3A_317] {strides = array<i32>} : memref<320x128xf32, #tpu.memory_space<vmem>>, vector<16xf32>,
      %add3A_319 = arith.addf %add3A_307, %get3A_318 : vector<16xf32>
      %add3A_320 = arith.constant 16 : i32
      %add3A_321 = arith.addi %mul3A_127, %add3A_320 : i32
      %get3A_322 = arith.index_cast %add3A_321 : i32 to index
      %get3A_323 = arith.constant 16 : index
      %get3A_324 = tpu.vector_load %arg13[%get3A_322, %get3A_323] {strides = array<i32>} : memref<320x128xf32, #tpu.memory_space<vmem>>, vector<16xf32>,
      %add3A_325 = arith.addf %add3A_313, %get3A_324 : vector<16xf32>
      %add3A_326 = arith.constant 17 : i32
      %add3A_327 = arith.addi %mul3A_127, %add3A_326 : i32
      %get3A_328 = arith.index_cast %add3A_327 : i32 to index
      %get3A_329 = arith.constant 0 : index
      %get3A_330 = tpu.vector_load %arg13[%get3A_328, %get3A_329] {strides = array<i32>} : memref<320x128xf32, #tpu.memory_space<vmem>>, vector<16xf32>,
      %add3A_331 = arith.addf %add3A_319, %get3A_330 : vector<16xf32>
      %add3A_332 = arith.constant 17 : i32
      %add3A_333 = arith.addi %mul3A_127, %add3A_332 : i32
      %get3A_334 = arith.index_cast %add3A_333 : i32 to index
      %get3A_335 = arith.constant 16 : index
      %get3A_336 = tpu.vector_load %arg13[%get3A_334, %get3A_335] {strides = array<i32>} : memref<320x128xf32, #tpu.memory_space<vmem>>, vector<16xf32>,
      %add3A_337 = arith.addf %add3A_325, %get3A_336 : vector<16xf32>
      %add3A_338 = arith.constant 18 : i32
      %add3A_339 = arith.addi %mul3A_127, %add3A_338 : i32
      %get3A_340 = arith.index_cast %add3A_339 : i32 to index
      %get3A_341 = arith.constant 0 : index
      %get3A_342 = tpu.vector_load %arg13[%get3A_340, %get3A_341] {strides = array<i32>} : memref<320x128xf32, #tpu.memory_space<vmem>>, vector<16xf32>,
      %add3A_343 = arith.addf %add3A_331, %get3A_342 : vector<16xf32>
      %add3A_344 = arith.constant 18 : i32
      %add3A_345 = arith.addi %mul3A_127, %add3A_344 : i32
      %get3A_346 = arith.index_cast %add3A_345 : i32 to index
      %get3A_347 = arith.constant 16 : index
      %get3A_348 = tpu.vector_load %arg13[%get3A_346, %get3A_347] {strides = array<i32>} : memref<320x128xf32, #tpu.memory_space<vmem>>, vector<16xf32>,
      %add3A_349 = arith.addf %add3A_337, %get3A_348 : vector<16xf32>
      %add3A_350 = arith.constant 19 : i32
      %add3A_351 = arith.addi %mul3A_127, %add3A_350 : i32
      %get3A_352 = arith.index_cast %add3A_351 : i32 to index
      %get3A_353 = arith.constant 0 : index
      %get3A_354 = tpu.vector_load %arg13[%get3A_352, %get3A_353] {strides = array<i32>} : memref<320x128xf32, #tpu.memory_space<vmem>>, vector<16xf32>,
      %add3A_355 = arith.addf %add3A_343, %get3A_354 : vector<16xf32>
      %add3A_356 = arith.constant 19 : i32
      %add3A_357 = arith.addi %mul3A_127, %add3A_356 : i32
      %get3A_358 = arith.index_cast %add3A_357 : i32 to index
      %get3A_359 = arith.constant 16 : index
      %get3A_360 = tpu.vector_load %arg13[%get3A_358, %get3A_359] {strides = array<i32>} : memref<320x128xf32, #tpu.memory_space<vmem>>, vector<16xf32>,
      %add3A_361 = arith.addf %add3A_349, %get3A_360 : vector<16xf32>
      %swap3A_362 = arith.index_cast %scan3A_125 : i32 to index
      %swap3A_363 = arith.constant 0 : index
      %swap3A_364 = tpu.vector_load %arg7[%swap3A_362, %swap3A_363] {strides = array<i32>} : memref<16x32xf32, #tpu.memory_space<vmem>>, vector<16xf32>,
      tpu.vector_store %arg7[%swap3A_362, %swap3A_363], %add3A_355 {strides = array<i32>} : memref<16x32xf32, #tpu.memory_space<vmem>>, vector<16xf32>,
      %swap3A_365 = arith.index_cast %scan3A_125 : i32 to index
      %swap3A_366 = arith.constant 16 : index
      %swap3A_367 = tpu.vector_load %arg7[%swap3A_365, %swap3A_366] {strides = array<i32>} : memref<16x32xf32, #tpu.memory_space<vmem>>, vector<16xf32>,
      tpu.vector_store %arg7[%swap3A_365, %swap3A_366], %add3A_361 {strides = array<i32>} : memref<16x32xf32, #tpu.memory_space<vmem>>, vector<16xf32>,
    }
    %scan3A_116 = arith.constant 16 : i32
    %broadcast_in_dim3A = arith.constant 0.000000e+00 : f32
    %broadcast_in_dim3A_117 = vector.broadcast %broadcast_in_dim3A : f32 to vector<16xf32>
    %scan3A_118 = arith.constant 0 : i32
    %scan3A_119 = arith.constant 32 : i32
    %scan3A_120 = arith.addi %scan3A_118, %scan3A_119 : i32
    %scan3A_121 = arith.constant 1 : i32
    %scan3A_122 = scf.for %scan3A_125 = %scan3A_118 to %scan3A_120 step %scan3A_121 iter_args(%scan3A_126 = %broadcast_in_dim3A_117) -> (vector<16xf32>)  : i32 {
      %broadcast_in_dim3A_127 = vector.broadcast %scan3A_125 : i32 to vector<16xi32>
      %gather3A = tpu.vector_load_idx %arg22[%iota3A, %broadcast_in_dim3A_127] : memref<16x32xf32, #tpu.memory_space<vmem>>[vector<16xi32>, vector<16xi32>], vector<16xf32>,
      %gather3A_128 = tpu.vector_load_idx %arg7[%iota3A, %broadcast_in_dim3A_127] : memref<16x32xf32, #tpu.memory_space<vmem>>[vector<16xi32>, vector<16xi32>], vector<16xf32>,
      %mul3A_129 = arith.mulf %gather3A, %gather3A_128 : vector<16xf32>
      %add3A_130 = arith.addf %scan3A_126, %mul3A_129 : vector<16xf32>
      scf.yield %add3A_130 : vector<16xf32>
    }
    %scan3A_123 = arith.constant 32 : i32
    %swap3A = arith.constant 496 : index
    %swap3A_124 = tpu.vector_load %arg11[%swap3A] {strides = array<i32>} : memref<512xf32, #tpu.memory_space<vmem>>, vector<16xf32>,
    tpu.vector_store %arg11[%swap3A], %scan3A_122 {strides = array<i32>} : memref<512xf32, #tpu.memory_space<vmem>>, vector<16xf32>,
    "tpu.region"() ({
      %run_scoped3A = tpu.sem_alloc : memref<!tpu.dma_semaphore, #tpu.memory_space<semaphore_mem>>
      %dma_start3A_125 = tpu.memref_slice %arg6[%mul3A_2] : memref<16384xf32, #tpu.memory_space<hbm>> -> memref<512xf32, #tpu.memory_space<hbm>>
      %dma_start3A_126 = tpu.memref_slice %arg6[%mul3A_2] : memref<16384xf32, #tpu.memory_space<hbm>> -> memref<512xf32, #tpu.memory_space<hbm>>
      tpu.enqueue_dma source(%arg11 : memref<512xf32, #tpu.memory_space<vmem>>) target(%dma_start3A_126 : memref<512xf32, #tpu.memory_space<hbm>>) target_semaphore(%run_scoped3A : memref<!tpu.dma_semaphore, #tpu.memory_space<semaphore_mem>>)
      %dma_wait3A_127 = tpu.memref_slice %arg6[%mul3A_2] : memref<16384xf32, #tpu.memory_space<hbm>> -> memref<512xf32, #tpu.memory_space<hbm>>
      %dma_wait3A_128 = tpu.memref_slice %arg6[%mul3A_2] : memref<16384xf32, #tpu.memory_space<hbm>> -> memref<512xf32, #tpu.memory_space<hbm>>
      tpu.wait_dma2 semaphore(%run_scoped3A : memref<!tpu.dma_semaphore, #tpu.memory_space<semaphore_mem>>) src(%arg11 : memref<512xf32, #tpu.memory_space<vmem>>) dst(%dma_wait3A_128 : memref<512xf32, #tpu.memory_space<hbm>>)
      tpu.yield
    }) : () -> ()
    return
  }
}

</mosaic_0001>

<sc_bundles>
// kernel: kernel.3.cloned.1.call-start
scs
__scs_entry_jumppad:
0x0: {  	(pc) =	sbr.rel $0x88, $3  }
0x1: {  	(tag) =	ssettag $0x0;
	lr =	simm.s32 $0x1  }
0x2: {  	[smem:$0x3F9C] =	sst lr;
	_ =	strace $0xD0000000  }
0x3: {  	_ = 	snop  }
0x4: {  	_ = 	snop  }
0x5: {  	_ = 	snop  }
0x6: {  	_ = 	snop  }
0x7: {  	_ = 	snop  }
__scs_overlays_trampoline_lowered:
0x8: {  	[smem:$0x3FAB] =	sst s0  }
0x9: {  	[smem:$0x3FAC] =	sst s1  }
0xa: {  	[smem:$0x3FAD] =	sst s2  }
0xb: {  	[smem:$0x3FAE] =	sst s3  }
0xc: {  	[smem:$0x3FAF] =	sst s4  }
0xd: {  	[smem:$0x3FB0] =	sst s5  }
0xe: {  	[smem:$0x3FB1] =	sst s6  }
0xf: {  	[smem:$0x3FB2] =	sst s7  }
0x10: {  	[smem:$0x3FB3] =	sst s8  }
0x11: {  	[smem:$0x3FB4] =	sst s9;
	s0 =	simm.s32 @!p0 $0x0  }
0x12: {  	s1 =	sld [smem:$0x3F9A];
	s0 =	simm.s32 @p0 $0x1  }
0x13: {  	[smem:$0x3FB5] =	sst s0;
	s0 =	simm.s32 @!p1 $0x0  }
0x14: {  	s2 =	sld [smem:$0x3F99];
	s0 =	simm.s32 @p1 $0x1  }
0x15: {  	[smem:$0x3FB6] =	sst s0;
	s0 =	simm.s32 @!p2 $0x0  }
0x16: {  	s3 =	sld [smem:$0x3FDB];
	s0 =	simm.s32 @p2 $0x1  }
0x17: {  	s4 =	simm.s32 $0x1BF5;
	[smem:$0x3FB8] =	sst s0  }
0x18: {  	s0 =	sld [smem:$0x3F9B];
	_ =	swait.ge [sflag:s4], $0x0  }
0x19: {  	s7 =	sld [smem:$0x3F9C]  }
0x1a: {  	s8 =	sadd.s32 $0xFFFFE003, lr  }
0x1b: {  	s9 =	sadd.s32 $0xFFFFFEF7, lr;
	s5 =	simm.s32 $0xFFFFFFFF;
	p2 =	slt.u32 s8, $0xFFFFF086  }
0x1c: {  	p1 =	slt.u32 s9, $0xF7A;
	s5 =	simm.s32 @!p2 $0x0  }
0x1d: {  	s5 =	simm.s32 @p1 $0x1;
	p0 =	seq.s32 s7, s2  }
0x1e: {  	s7 =	smul.u32 @!p0 $0xF7A, s2;
	p2 =	seq.s32 @!p0 s5, $0x0  }
0x1f: {  	s9 =	smul.u32 $0xF7A, s1;
	s8 =	simm.s32 @!p0 $0x1BF5;
	p2 =	por !p2, p0  }
0x20: {  	[sflag:s8] =	ssyncset.s32 @!p0 $0xFFFFF086;
	s6 =	sadd.s32 @!p0 s3, s7;
	s7 =	simm.s32 @!p0 $0x108  }
0x21: {  	s3 =	sadd.s32 s3, s9;
	s6 =	sadd.s32 @!p0 $0x88, s6;
	s7 =	simm.s32 @p2 $0x1082  }
0x22: {  	[simem:s7], [sflag:s8] =	dma.local @!p0 [hbm:s6], $0xF7A  }
0x23: {  	s9 =	sor.u32 $0xD0000000, s2;
	s6 =	simm.s32 $0x108;
	_ =	swait.ge @!p0 [sflag:s8], $0x0  }
0x24: {  	s3 =	sadd.s32 $0x88, s3;
	s6 =	simm.s32 @!p1 $0x1082;
	[sflag:s4] =	ssyncset.s32 $0xFFFFF086  }
0x25: {  	[simem:s6], [sflag:s4] =	dma.local [hbm:s3], $0xF7A  }
0x26: {  	[smem:$0x3F9C] =	sst s1;
	(tag) =	ssettag s2;
	_ =	strace s9  }
0x27: {  	s1 =	sld [smem:$0x3FAC]  }
0x28: {  	s2 =	sld [smem:$0x3FAD]  }
0x29: {  	s4 =	sld [smem:$0x3FAF]  }
0x2a: {  	p0 =	seq.s32 s5, $0x0;
	s5 =	sld [smem:$0x3FB0]  }
0x2b: {  	s6 =	sld [smem:$0x3FB1]  }
0x2c: {  	s7 =	sld [smem:$0x3FB2]  }
0x2d: {  	s3 =	simm.s32 $0x108;
	s8 =	sld [smem:$0x3FB3]  }
0x2e: {  	s3 =	simm.s32 @!p0 $0x1082;
	s9 =	sld [smem:$0x3FB4]  }
0x2f: {  	lr =	sadd.s32 s0, s3;
	s0 =	sld [smem:$0x3FAB]  }
0x30: {  	s3 =	sld [smem:$0x3FAE]  }
0x31: {  	[smem:$0x3FB7] =	sst s10  }
0x32: {  	s10 =	sld [smem:$0x3FB5];
	_ =	sdelay $0x3  }
0x33: {  	p0 =	seq.s32 s10, $0x1;
	s10 =	sld [smem:$0x3FB7];
	_ =	sdelay $0x3  }
0x34: {  	[smem:$0x3FB7] =	sst s10  }
0x35: {  	s10 =	sld [smem:$0x3FB6];
	_ =	sdelay $0x3  }
0x36: {  	p1 =	seq.s32 s10, $0x1;
	s10 =	sld [smem:$0x3FB7];
	_ =	sdelay $0x3  }
0x37: {  	[smem:$0x3FB7] =	sst s10  }
0x38: {  	s10 =	sld [smem:$0x3FB8]  }
0x39: {  	_ = 	snop;
	(pc) =	sbr.ind lr, $3  }
0x3a: {  	_ = 	snop  }
0x3b: {  	_ = 	snop  }
0x3c: {  	p2 =	seq.s32 s10, $0x1;
	s10 =	sld [smem:$0x3FB7]  }
0x3d: {  	_ =	shalt  }
0x3e: {  	_ =	shalt  }
0x3f: {  	_ =	shalt  }
0x40: {  	_ =	shalt  }
0x41: {  	_ =	shalt  }
0x42: {  	_ =	shalt  }
0x43: {  	_ =	shalt  }
0x44: {  	_ =	shalt  }
0x45: {  	_ =	shalt  }
0x46: {  	_ =	shalt  }
0x47: {  	_ =	shalt  }
0x48: {  	_ =	shalt  }
0x49: {  	_ =	shalt  }
0x4a: {  	_ =	shalt  }
0x4b: {  	_ =	shalt  }
0x4c: {  	_ =	shalt  }
0x4d: {  	_ =	shalt  }
0x4e: {  	_ =	shalt  }
0x4f: {  	_ =	shalt  }
0x50: {  	_ =	shalt  }
0x51: {  	_ =	shalt  }
0x52: {  	_ =	shalt  }
0x53: {  	_ =	shalt  }
0x54: {  	_ =	shalt  }
0x55: {  	_ =	shalt  }
0x56: {  	_ =	shalt  }
0x57: {  	_ =	shalt  }
0x58: {  	_ =	shalt  }
0x59: {  	_ =	shalt  }
0x5a: {  	_ =	shalt  }
0x5b: {  	_ =	shalt  }
0x5c: {  	_ =	shalt  }
0x5d: {  	_ =	shalt  }
0x5e: {  	_ =	shalt  }
0x5f: {  	_ =	shalt  }
0x60: {  	_ =	shalt  }
0x61: {  	_ =	shalt  }
0x62: {  	_ =	shalt  }
0x63: {  	_ =	shalt  }
0x64: {  	_ =	shalt  }
0x65: {  	_ =	shalt  }
0x66: {  	_ =	shalt  }
0x67: {  	_ =	shalt  }
0x68: {  	_ =	shalt  }
0x69: {  	_ =	shalt  }
0x6a: {  	_ =	shalt  }
0x6b: {  	_ =	shalt  }
0x6c: {  	_ =	shalt  }
0x6d: {  	_ =	shalt  }
0x6e: {  	_ =	shalt  }
0x6f: {  	_ =	shalt  }
0x70: {  	_ =	shalt  }
0x71: {  	_ =	shalt  }
0x72: {  	_ =	shalt  }
0x73: {  	_ =	shalt  }
0x74: {  	_ =	shalt  }
0x75: {  	_ =	shalt  }
0x76: {  	_ =	shalt  }
0x77: {  	_ =	shalt  }
0x78: {  	_ =	shalt  }
0x79: {  	_ =	shalt  }
0x7a: {  	_ =	shalt  }
0x7b: {  	_ =	shalt  }
0x7c: {  	_ =	shalt  }
0x7d: {  	_ =	shalt  }
0x7e: {  	_ =	shalt  }
0x7f: {  	_ =	shalt  }
0x80: {  	_ =	shalt  }
0x81: {  	_ =	shalt  }
0x82: {  	_ =	shalt  }
0x83: {  	_ =	shalt  }
0x84: {  	_ =	shalt  }
0x85: {  	_ =	shalt  }
0x86: {  	_ =	shalt  }
0x87: {  	_ =	shalt  }
.Lfunc_end0:
.L_simem_size_0:
called_computation_lowered:
.L_overlay_start_0:
0x88: {  	s2 =	sld [smem:$0x3FD9]  }
0x89: {  	s3 =	sld [smem:$0x3FFE];
	_ =	sdelay $0x1  }
0x8a: {  	s1 =	srdreg.scid  }
0x8b: {  	s0 =	sand.u32 $0x1, s1  }
0x8c: {  	s17 =	sshll.u32 s0, $0xA;
	s2 =	sadd.s32 s3, s2  }
0x8d: {  	s2 =	sadd.s32 s2, s17  }
0x8e: {  	[smem:$0x3FC3] =	sst s2  }
0x8f: {  	_ = 	snop  }
0x90: {  	s2 =	sld [smem:$0x3FC9]  }
0x91: {  	s18 =	sld [smem:$0x3FC8]  }
0x92: {  	s4 =	sld [smem:$0x3FD0];
	(tm) =	ssettm $0x1  }
0x93: {  	s5 =	sld [smem:$0x3FFB];
	_ =	sdelay $0x3  }
0x94: {  	_ =	strace s5  }
0x95: {  	s5 =	sld [smem:$0x3FFC];
	_ =	sdelay $0x3  }
0x96: {  	_ =	strace s5  }
0x97: {  	s5 =	sld [smem:$0x3FFD];
	_ =	sdelay $0x3  }
0x98: {  	_ =	strace s5  }
0x99: {  	_ =	strace $0x8FFFFFFF  }
0x9a: {  	s19 =	sld [smem:$0x3FDB];
	_ =	sdelay $0x1  }
0x9b: {  	s6 =	simm.s32 $_scs_section_size  }
0x9c: {  	s7 =	simm.s32 $_size__tile_overlayer_lowered;
	s8 =	simm.s32 $_tile_overlayer_lowered  }
0x9d: {  	s22 =	simm.s32 $0x1BFF;
	s21 =	sshll.u32 s8, $0x1;
	s5 =	sadd.s32 s6, s19  }
0x9e: {  	s9 =	simm.s32 $0x0;
	s20 =	sshll.u32 s7, $0x1;
	s7 =	sadd.s32 s21, s5  }
0x9f: {  	[timem:s9], [sflag:s22] =	dma.local [hbm:s7], s20  }
0xa0: {  	_ =	swait.ge [sflag:s22], s20  }
0xa1: {  	s6 =	ssub.s32 $0x0, s20;
	[sflag:s22] =	ssyncset.done $0x0  }
0xa2: {  	[sflag:s22] =	ssyncadd.s32 s6;
	_ =	sdelay $0x1  }
0xa3: {  	s23 =	simm.s32 $0x1B8B  }
0xa4: {  	_ =	swait.ge [sflag:s23], $0x1  }
0xa5: {  	[sflag:s23] =	ssyncset.done $0x0  }
0xa6: {  	s25 =	simm.s32 $0x1B8E;
	s24 =	sld [smem:$0x3FFE];
	[sflag:s23] =	ssyncadd.s32 $0xFFFFFFFF  }
0xa7: {  	s26 =	simm.s32 $execute0_lowered;
	[smem:$0x3FD2] =	sst s25  }
0xa8: {  	s7 =	sshll.u32 s26, $0x1;
	_ =	strace $0x80000046;
	[dreg:$0x1] =	wrdreg $0xFFFFFFFF  }
0xa9: {  	s28 =	simm.s32 $_size_execute0_lowered;
	s5 =	sadd.s32 s5, s7;
	[dreg:$0x0] =	wrdreg $0x0  }
0xaa: {  	s7 =	sshll.u32 s28, $0x1;
	[dreg:$0x2] =	wrdreg s5  }
0xab: {  	[dreg:$0x3] =	wrdreg s7  }
0xac: {  	[dreg:$0x4] =	wrdreg $0xC0  }
0xad: {  	_ =	task [dreg:s9], $0x5FFFF  }
0xae: {  	[dreg:$0x1] =	wrdreg $0xFFFFFFFF  }
0xaf: {  	[dreg:$0x0] =	wrdreg $0x60  }
0xb0: {  	[dreg:$0x2] =	wrdreg s2  }
0xb1: {  	[dreg:$0x3] =	wrdreg s18  }
0xb2: {  	[dreg:$0x4] =	wrdreg s24  }
0xb3: {  	[dreg:$0x5] =	wrdreg s4  }
0xb4: {  	[dreg:$0x6] =	wrdreg $0x9  }
0xb5: {  	_ =	task.clear_ibuf [dreg:s9], $0x7FFFF;
	_ =	strace $0x90000046  }
0xb6: {  	s29 =	simm.s32 $0x9;
	_ =	strace $0x80000048  }
0xb7: {  	_ =	swait.ge [sflag:s29], $0x1  }
0xb8: {  	[sflag:s29] =	ssyncadd.s32 $0xFFFFFFFF  }
0xb9: {  	_ =	strace $0x90000048  }
0xba: {  	_ =	sfence  }
0xbb: {  	s30 =	sld [smem:$0x0];
	_ =	sdelay $0x2  }
0xbc: {  	s31 =	sshll.u32 s1, $0xD;
	s1 =	sshrl.u32 s1, $0x2  }
0xbd: {  	s3 =	sand.u32 $0x4000, s31;
	s1 =	sadd.s32 s1, s30  }
0xbe: {  	s0 =	sor.u32 s3, s0;
	s1 =	sshll.u32 s1, $0x11  }
0xbf: {  	s0 =	sor.u32 s1, s0  }
0xc0: {  	s0 =	sadd.s32 $0x8F2B, s0  }
0xc1: {  	[sflag:s0] =	ssyncadd.remote.s32 $0x1  }
0xc2: {  	_ =	sfence.sel $0xFFFF  }
0xc3: {  	[dreg:$0x0] =	wrdreg $0xFFFFFFFF;
	(pc) =	sbr.abs _section_cstart, $3  }
0xc4: {  	[dreg:$0x1] =	wrdreg $0xFFFFFFFF  }
0xc5: {  	_ =	task.clear_ibuf [dreg:s9], $0x2FFFF;
	_ =	strace $0x9FFFFFFF  }
0xc6: {  	(tm) =	ssettm $0x7FFFFFFF  }
0xc7: {  	_ =	shalt  }
tec
execute0_lowered:
.L_overlay_start_1:
0x0: {  	(tag) =	ssettag $0x1  }
0x1: {  	s0 =	rddreg [dreg:$0x0]  }
0x2: {  	s2 =	rddreg [dreg:$0x1]  }
0x3: {  	s4 =	rddreg [dreg:$0x2]  }
0x4: {  	s5 =	rddreg [dreg:$0x3]  }
0x5: {  	s1 =	simm.s32 $0x0;
	s3 =	srdreg.scid;
	s9 =	stileid.u32  }
0x6: {  	s12 =	simm.s32 $0x10;
	s14 =	simm.s32 $0x15300;
	s15 =	simm.s32 $0x3  }
0x7: {  	s17 =	simm.s32 $0x15B00;
	s18 =	simm.s32 $0x15000;
	s19 =	simm.s32 $0x80  }
0x8: {  	s21 =	simm.s32 $0x15080;
	s22 =	simm.s32 $0x5000;
	s23 =	simm.s32 $0x40  }
0x9: {  	s28 =	simm.s32 $0x15180;
	s29 =	simm.s32 $0xB000;
	s30 =	simm.s32 $0x15200  }
0xa: {  	s31 =	simm.s32 $0xF000;
	s11 =	simm.s32 $0x2;
	s13 =	simm.s32 $0x16300  }
0xb: {  	[smem:$0x7FF] =	sst s1;
	s6 =	sand.u32 $0x1, s3;
	s3 =	sadd.s32 $0x187E00, s4  }
0xc: {  	s9 =	sshll.u32 s9, $0x7;
	s7 =	ssub.s32 $0x2, s6;
	s6 =	sshll.u32 s6, $0x6  }
0xd: {  	s4 =	sadd.s32 $0x1E9A00, s4;
	_ =	strace $0x80000047;
	s6 =	sor.u32 s6, s9  }
0xe: {  	s8 =	sshrl.u32 s7, $0x1;
	s9 =	simm.s32 $0x1;
	s0 =	sadd.s32 s0, s6  }
0xf: {  	s7 =	ssub.s32 s7, s8;
	s24 =	sadd.s32 s2, s6;
	[dreg:$0x5] =	wrdreg s0  }
0x10: {  	s25 =	sadd.s32 s5, s6;
	s2 =	simm.s32 $0x13000;
	[dreg:$0x6] =	wrdreg s24  }
0x11: {  	v1 =	vlaneseq.u32;
	s6 =	simm.s32 $0x0;
	[dreg:$0x7] =	wrdreg s25;
	s26 =	smax.u32 s7, $0x1  }
0x12: {  	v0 =	vmul.u32 $0x80, v1;
	s7 =	simm.s32 $0x5;
	s24 =	simm.s32 $0x15100;
	s25 =	simm.s32 $0x9000  }
0x13: {  	v1 =	vmul.u32 $0x14, v1;
	s0 =	simm.s32 $0x15280;
	[dreg:$0x8] =	wrdreg s26;
	s26 =	simm.s32 $0x4  }
.LBB2_1:
0x14: {  	[dreg:$0x9] =	wrdreg s6  }
0x15: {  	s5 =	rddreg [dreg:$0x5];
	s10 =	simm.s32 $0x16D00  }
0x16: {  	[tilespmem:s10], [sflag:$0x5] =	stream.linear.gather [hbm4b:s5+s1], $0x200, $0x38;
	[tilespmem:$0x17100] =	vst v63  }
0x17: {  	_ =	swait.ge [sflag:s7], $0x200  }
0x18: {  	[sflag:s7] =	ssyncset.done $0x0  }
0x19: {  	s20 =	simm.s32 $0xA00;
	s16 =	rddreg [dreg:$0x6];
	[sflag:s7] =	ssyncadd.s32 $0xFFFFFE00  }
0x1a: {  	[tilespmem:s20], [sflag:$0x5] =	stream.linear.gather [hbm4b:s16+s1], $0x200, $0x38;
	[tilespmem:$0x17100] =	vst v63  }
0x1b: {  	_ =	swait.ge [sflag:s7], $0x200  }
0x1c: {  	[sflag:s7] =	ssyncset.done $0x0  }
0x1d: {  	s5 =	simm.s32 $0x0;
	[sflag:s7] =	ssyncadd.s32 $0xFFFFFE00  }
0x1e: {  	v3 =	vld [tilespmem:s5+$0xA00]  }
0x1f: {  	v2 =	vld [tilespmem:s5+$0x16D00];
	_ =	sdelay $0x1  }
0x20: {  	s6 =	simm.s32 $0x40  }
.LBB2_2:
0x21: {  	p0 =	sne.s32 s6, $0x7C0  }
.Ltmp0:
0x22: {  	s7 =	sshra.s32 s6, $0x2;
	s6 =	sadd.s32 $0x40, s6;
	v4 =	vshrl.u32 v3, $0x2;
	v5 =	vshll.u32 v3, $0x5;
	(pc) =	sbr.rel @p0 .LBB2_2-.Ltmp0, $4  }
0x23: {  	v3 =	vld [tilespmem:s7+$0xA00];
	v6 =	vshrl.u32 v2, $0x2;
	v7 =	vshll.u32 v2, $0x5;
	[tilespmem:s5+$0x800] =	vst v4;
	v4 =	vand.u32 $0x60, v5  }
0x24: {  	v2 =	vld [tilespmem:s7+$0x16D00];
	v5 =	vand.u32 $0x60, v7;
	[tilespmem:s5+$0xC00] =	vst v4  }
0x25: {  	[tilespmem:s5+$0x16F00] =	vst v5  }
0x26: {  	[tilespmem:s5+$0x16B00] =	vst v6;
	s5 =	smov.u32 s7  }
0x27: {  	_ = 	snop  }
0x28: {  	v4 =	vshrl.u32 v3, $0x2;
	v3 =	vshll.u32 v3, $0x5  }
0x29: {  	[tilespmem:s5+$0x800] =	vst v4;
	v3 =	vand.u32 $0x60, v3  }
0x2a: {  	v5 =	vshll.u32 v2, $0x5;
	v2 =	vshrl.u32 v2, $0x2;
	[tilespmem:s5+$0xC00] =	vst v3  }
0x2b: {  	v4 =	vand.u32 $0x60, v5;
	[tilespmem:s5+$0x16B00] =	vst v2  }
0x2c: {  	s16 =	simm.s32 $0x16B00;
	[tilespmem:s5+$0x16F00] =	vst v4  }
0x2d: {  	[tilespmem:s14], [sflag:$0x3] =	stream.indirect.gather [hbm4b:s3+s12], $0x80, s16, s12, $0xb8;
	[tilespmem:$0x17100] =	vst v63  }
0x2e: {  	_ =	swait.ge [sflag:s15], $0x800  }
0x2f: {  	[sflag:s15] =	ssyncset.done $0x0  }
0x30: {  	s20 =	simm.s32 $0x800;
	[sflag:s15] =	ssyncadd.s32 $0xFFFFF800  }
0x31: {  	[tilespmem:s17], [sflag:$0x4] =	stream.indirect.gather [hbm4b:s3+s12], $0x80, s20, s12, $0xb8;
	[tilespmem:$0x17100] =	vst v63  }
0x32: {  	v2 =	vld [tilespmem:$0x16F00];
	_ =	sdelay $0x3  }
0x33: {  	s7 =	simm.s32 $0x0  }
0x34: {  	v3 =	vadd.s32 s7, v2  }
0x35: {  	v3 =	vadd.s32 v0, v3;
	_ =	sdelay $0x3  }
0x36: {  	s5 =	simm.s32 $0x1  }
0x37: {  	s6 =	simm.s32 $0x2;
	v4 =	vadd.s32 s7, v1;
	v5 =	vadd.s32 s5, v2;
	v3 =	vld.idx.msk [tilespmem:v3+s14+$0x0], $0xffff  }
.LBB2_4:
0x38: {  	p0 =	sne.s32 s6, $0x13;
	v5 =	vadd.s32 v0, v5;
	_ =	sdelay $0x1  }
.Ltmp1:
0x39: {  	(pc) =	sbr.rel @p0 .LBB2_4-.Ltmp1, $4  }
0x3a: {  	_ = 	snop  }
0x3b: {  	[tilespmem:v4+s18+$0x0] =	vst.idx.msk $0xffff, v3  }
0x3c: {  	v3 =	vld.idx.msk [tilespmem:v5+s14+$0x0], $0xffff  }
0x3d: {  	v4 =	vadd.s32 s5, v1;
	s5 =	smov.u32 s6;
	v5 =	vadd.s32 s6, v2;
	s6 =	sadd.s32 $0x1, s6  }
0x3e: {  	v2 =	vadd.s32 v0, v5;
	_ =	sdelay $0x3  }
0x3f: {  	[tilespmem:v4+s18+$0x0] =	vst.idx.msk $0xffff, v3  }
0x40: {  	v3 =	vadd.s32 s5, v1;
	v2 =	vld.idx.msk [tilespmem:v2+s14+$0x0], $0xffff;
	_ =	sdelay $0x4  }
0x41: {  	s20 =	simm.s32 $0x1000;
	[tilespmem:v3+s18+$0x0] =	vst.idx.msk $0xffff, v2  }
0x42: {  	[tilespmem:s20], [sflag:$0x1] =	stream.indirect.gather [hbm4b:s4+s19], $0x80, s18, s19, $0xb8;
	[tilespmem:$0x17100] =	vst v63  }
0x43: {  	_ = 	snop  }
0x44: {  	[tilespmem:s22], [sflag:$0x1] =	stream.indirect.gather [hbm4b:s4+s19], $0x80, s21, s19, $0xb8;
	[tilespmem:$0x17100] =	vst v63  }
0x45: {  	s6 =	simm.s32 $0x0;
	s5 =	simm.s32 $0x0  }
0x46: {  	[tilespmem:s25], [sflag:$0x1] =	stream.indirect.gather [hbm4b:s4+s23], $0x80, s24, s23, $0xb8;
	[tilespmem:$0x17100] =	vst v63  }
.LBB2_6:
0x47: {  	s7 =	sshll.u32 s6, $0x4  }
0x48: {  	s8 =	sadd.s32 $0x16B10, s7  }
0x49: {  	[tilespmem:s14], [sflag:$0x3] =	stream.indirect.gather [hbm4b:s3+s12], $0x80, s8, s12, $0xb8;
	[tilespmem:$0x17100] =	vst v63  }
0x4a: {  	_ =	swait.ge [sflag:s26], $0x800  }
0x4b: {  	[sflag:s26] =	ssyncset.done $0x0  }
0x4c: {  	[sflag:s26] =	ssyncadd.s32 $0xFFFFF800  }
0x4d: {  	v2 =	vld [tilespmem:s7+$0xC00];
	_ =	sdelay $0x4  }
0x4e: {  	v3 =	vadd.s32 s5, v2  }
0x4f: {  	v3 =	vadd.s32 v0, v3;
	_ =	sdelay $0x3  }
0x50: {  	s10 =	simm.s32 $0x1  }
0x51: {  	s16 =	simm.s32 $0x2;
	v4 =	vadd.s32 s5, v1;
	s8 =	sadd.s32 $0x10, s7;
	v5 =	vadd.s32 s10, v2;
	v3 =	vld.idx.msk [tilespmem:v3+s17+$0x0], $0xffff  }
.LBB2_7:
0x52: {  	p0 =	sne.s32 s16, $0x13;
	v5 =	vadd.s32 v0, v5;
	_ =	sdelay $0x1  }
.Ltmp2:
0x53: {  	(pc) =	sbr.rel @p0 .LBB2_7-.Ltmp2, $4  }
0x54: {  	_ = 	snop  }
0x55: {  	[tilespmem:v4+s28+$0x0] =	vst.idx.msk $0xffff, v3  }
0x56: {  	v3 =	vld.idx.msk [tilespmem:v5+s17+$0x0], $0xffff  }
0x57: {  	v4 =	vadd.s32 s10, v1;
	s10 =	smov.u32 s16;
	v5 =	vadd.s32 s16, v2;
	s16 =	sadd.s32 $0x1, s16  }
0x58: {  	v2 =	vadd.s32 v0, v5;
	_ =	sdelay $0x3  }
0x59: {  	[tilespmem:v4+s28+$0x0] =	vst.idx.msk $0xffff, v3  }
0x5a: {  	v3 =	vadd.s32 s10, v1;
	v2 =	vld.idx.msk [tilespmem:v2+s17+$0x0], $0xffff;
	_ =	sdelay $0x4  }
0x5b: {  	[tilespmem:v3+s28+$0x0] =	vst.idx.msk $0xffff, v2  }
0x5c: {  	[tilespmem:s29], [sflag:$0x2] =	stream.indirect.gather [hbm4b:s4+s19], $0x80, s28, s19, $0xb8;
	[tilespmem:$0x17100] =	vst v63  }
0x5d: {  	_ = 	snop  }
0x5e: {  	[tilespmem:s31], [sflag:$0x2] =	stream.indirect.gather [hbm4b:s4+s19], $0x80, s30, s19, $0xb8;
	[tilespmem:$0x17100] =	vst v63  }
0x5f: {  	_ = 	snop  }
0x60: {  	[tilespmem:s2], [sflag:$0x2] =	stream.indirect.gather [hbm4b:s4+s23], $0x80, s0, s23, $0xb8;
	[tilespmem:$0x17100] =	vst v63  }
0x61: {  	_ =	swait.ge [sflag:s9], $0xA000  }
0x62: {  	[sflag:s9] =	ssyncset.done $0x0  }
0x63: {  	s10 =	simm.s32 $0x1500;
	[sflag:s9] =	ssyncadd.s32 $0xFFFF6000  }
0x64: {  	v2 =	vld [tilespmem:s10+$0xFFFFFB90]  }
0x65: {  	v3 =	vld [tilespmem:s10+$0xFFFFFB00]  }
0x66: {  	v30 =	vld [tilespmem:s10+$0xFFFFFB80]  }
0x67: {  	v31 =	vld [tilespmem:s10+$0xFFFFFB10]  }
0x68: {  	v6 =	vld [tilespmem:s10+$0xFFFFFC00]  }
0x69: {  	v7 =	vld [tilespmem:s10+$0xFFFFFC10]  }
0x6a: {  	v8 =	vld [tilespmem:s10+$0xFFFFFC80]  }
0x6b: {  	v32 =	vld [tilespmem:s10+$0xFFFFFC90];
	v3 =	vadd.f32 v30, v3  }
0x6c: {  	v9 =	vld [tilespmem:s10+$0xFFFFFD00]  }
0x6d: {  	v33 =	vld [tilespmem:s10+$0xFFFFFD10];
	v2 =	vadd.f32 v2, v31;
	v3 =	vadd.f32 v6, v3  }
0x6e: {  	v34 =	vld [tilespmem:s10+$0xFFFFFD80]  }
0x6f: {  	v35 =	vld [tilespmem:s10+$0xFFFFFD90];
	v2 =	vadd.f32 v7, v2;
	v3 =	vadd.f32 v8, v3  }
0x70: {  	v36 =	vld [tilespmem:s10+$0xFFFFFE00]  }
0x71: {  	v37 =	vld [tilespmem:s10+$0xFFFFFE10];
	v2 =	vadd.f32 v32, v2;
	v3 =	vadd.f32 v9, v3  }
0x72: {  	v38 =	vld [tilespmem:s10+$0xFFFFFE80]  }
0x73: {  	v39 =	vld [tilespmem:s10+$0xFFFFFE90];
	v2 =	vadd.f32 v33, v2;
	v3 =	vadd.f32 v34, v3  }
0x74: {  	v40 =	vld [tilespmem:s10+$0xFFFFFF00]  }
0x75: {  	v41 =	vld [tilespmem:s10+$0xFFFFFF10];
	v2 =	vadd.f32 v35, v2;
	v3 =	vadd.f32 v36, v3  }
0x76: {  	v42 =	vld [tilespmem:s10+$0xFFFFFF80]  }
0x77: {  	v43 =	vld [tilespmem:s10+$0xFFFFFF90];
	v2 =	vadd.f32 v37, v2;
	v3 =	vadd.f32 v38, v3  }
0x78: {  	v44 =	vld [tilespmem:s10+$0x0]  }
0x79: {  	v45 =	vld [tilespmem:s10+$0x10];
	v2 =	vadd.f32 v39, v2;
	v3 =	vadd.f32 v40, v3  }
0x7a: {  	v46 =	vld [tilespmem:s10+$0x80]  }
0x7b: {  	v47 =	vld [tilespmem:s10+$0x90];
	v2 =	vadd.f32 v41, v2;
	v3 =	vadd.f32 v42, v3  }
0x7c: {  	v48 =	vld [tilespmem:s10+$0x100]  }
0x7d: {  	v49 =	vld [tilespmem:s10+$0x110];
	v2 =	vadd.f32 v43, v2;
	v3 =	vadd.f32 v44, v3  }
0x7e: {  	v50 =	vld [tilespmem:s10+$0x180]  }
0x7f: {  	v51 =	vld [tilespmem:s10+$0x190];
	v2 =	vadd.f32 v45, v2;
	v3 =	vadd.f32 v46, v3  }
0x80: {  	v52 =	vld [tilespmem:s10+$0x200]  }
0x81: {  	v53 =	vld [tilespmem:s10+$0x210];
	v2 =	vadd.f32 v47, v2;
	v3 =	vadd.f32 v48, v3  }
0x82: {  	v54 =	vld [tilespmem:s10+$0x280]  }
0x83: {  	v55 =	vld [tilespmem:s10+$0x290];
	v2 =	vadd.f32 v49, v2;
	v3 =	vadd.f32 v50, v3  }
0x84: {  	v56 =	vld [tilespmem:s10+$0x300]  }
0x85: {  	v57 =	vld [tilespmem:s10+$0x310];
	v2 =	vadd.f32 v51, v2;
	v3 =	vadd.f32 v52, v3  }
0x86: {  	v58 =	vld [tilespmem:s10+$0x380]  }
0x87: {  	v59 =	vld [tilespmem:s10+$0x390];
	v2 =	vadd.f32 v53, v2;
	v3 =	vadd.f32 v54, v3  }
0x88: {  	v60 =	vld [tilespmem:s10+$0x400]  }
0x89: {  	v61 =	vld [tilespmem:s10+$0x410];
	v2 =	vadd.f32 v55, v2;
	v3 =	vadd.f32 v56, v3  }
0x8a: {  	v62 =	vld [tilespmem:s10+$0x480]  }
0x8b: {  	v2 =	vadd.f32 v57, v2;
	v3 =	vadd.f32 v58, v3  }
0x8c: {  	v63 =	vld [tilespmem:s10+$0x490]  }
0x8d: {  	v2 =	vadd.f32 v59, v2;
	v3 =	vadd.f32 v60, v3;
	_ =	sdelay $0x1  }
0x8e: {  	v2 =	vadd.f32 v61, v2;
	v3 =	vadd.f32 v62, v3  }
0x8f: {  	s20 =	simm.s32 $0x0  }
0x90: {  	s16 =	simm.s32 $0x200;
	v2 =	vadd.f32 v63, v2;
	[tilespmem:s20+$0x16300] =	vst v3  }
.LBB2_9:
0x91: {  	p0 =	sne.s32 s16, $0x1E00  }
0x92: {  	[tilespmem:s20+$0x16310] =	vst v2;
	s10 =	sadd.s32 $0xA00, s10;
	s20 =	smov.u32 s16;
	s16 =	sadd.s32 $0x200, s16  }
0x93: {  	v2 =	vld [tilespmem:s10+$0xFFFFFB90]  }
0x94: {  	v3 =	vld [tilespmem:s10+$0xFFFFFB00]  }
0x95: {  	v4 =	vld [tilespmem:s10+$0xFFFFFB80]  }
0x96: {  	v5 =	vld [tilespmem:s10+$0xFFFFFB10]  }
0x97: {  	v6 =	vld [tilespmem:s10+$0xFFFFFC00]  }
0x98: {  	v7 =	vld [tilespmem:s10+$0xFFFFFC10]  }
0x99: {  	v8 =	vld [tilespmem:s10+$0xFFFFFC80]  }
0x9a: {  	v3 =	vadd.f32 v4, v3;
	v4 =	vld [tilespmem:s10+$0xFFFFFC90]  }
0x9b: {  	v2 =	vadd.f32 v2, v5;
	v5 =	vld [tilespmem:s10+$0xFFFFFD00]  }
0x9c: {  	v3 =	vadd.f32 v6, v3;
	v6 =	vld [tilespmem:s10+$0xFFFFFD10]  }
0x9d: {  	v2 =	vadd.f32 v7, v2;
	v7 =	vld [tilespmem:s10+$0xFFFFFD80]  }
0x9e: {  	v3 =	vadd.f32 v8, v3;
	v8 =	vld [tilespmem:s10+$0xFFFFFD90]  }
0x9f: {  	v2 =	vadd.f32 v4, v2;
	v4 =	vld [tilespmem:s10+$0xFFFFFE00]  }
0xa0: {  	v3 =	vadd.f32 v5, v3;
	v5 =	vld [tilespmem:s10+$0xFFFFFE10]  }
0xa1: {  	v2 =	vadd.f32 v6, v2;
	v6 =	vld [tilespmem:s10+$0xFFFFFE80]  }
0xa2: {  	v3 =	vadd.f32 v7, v3;
	v7 =	vld [tilespmem:s10+$0xFFFFFE90]  }
0xa3: {  	v2 =	vadd.f32 v8, v2;
	v8 =	vld [tilespmem:s10+$0xFFFFFF00]  }
0xa4: {  	v3 =	vadd.f32 v4, v3;
	v4 =	vld [tilespmem:s10+$0xFFFFFF10]  }
0xa5: {  	v2 =	vadd.f32 v5, v2;
	v5 =	vld [tilespmem:s10+$0xFFFFFF80]  }
0xa6: {  	v3 =	vadd.f32 v6, v3;
	v6 =	vld [tilespmem:s10+$0xFFFFFF90]  }
0xa7: {  	v2 =	vadd.f32 v7, v2;
	v7 =	vld [tilespmem:s10+$0x0]  }
0xa8: {  	v3 =	vadd.f32 v8, v3;
	v8 =	vld [tilespmem:s10+$0x10]  }
0xa9: {  	v2 =	vadd.f32 v4, v2;
	v4 =	vld [tilespmem:s10+$0x80]  }
0xaa: {  	v3 =	vadd.f32 v5, v3;
	v5 =	vld [tilespmem:s10+$0x90]  }
0xab: {  	v2 =	vadd.f32 v6, v2;
	v6 =	vld [tilespmem:s10+$0x100]  }
0xac: {  	v3 =	vadd.f32 v7, v3;
	v7 =	vld [tilespmem:s10+$0x110]  }
0xad: {  	v2 =	vadd.f32 v8, v2;
	v8 =	vld [tilespmem:s10+$0x180]  }
0xae: {  	v3 =	vadd.f32 v4, v3;
	v4 =	vld [tilespmem:s10+$0x190]  }
0xaf: {  	v2 =	vadd.f32 v5, v2;
	v5 =	vld [tilespmem:s10+$0x200]  }
0xb0: {  	v3 =	vadd.f32 v6, v3;
	v6 =	vld [tilespmem:s10+$0x210]  }
0xb1: {  	v2 =	vadd.f32 v7, v2;
	v7 =	vld [tilespmem:s10+$0x280]  }
0xb2: {  	v3 =	vadd.f32 v8, v3;
	v8 =	vld [tilespmem:s10+$0x290]  }
0xb3: {  	v2 =	vadd.f32 v4, v2;
	v4 =	vld [tilespmem:s10+$0x300]  }
0xb4: {  	v3 =	vadd.f32 v5, v3;
	v5 =	vld [tilespmem:s10+$0x310]  }
0xb5: {  	v2 =	vadd.f32 v6, v2;
	v6 =	vld [tilespmem:s10+$0x380]  }
0xb6: {  	v3 =	vadd.f32 v7, v3;
	v7 =	vld [tilespmem:s10+$0x390]  }
0xb7: {  	v2 =	vadd.f32 v8, v2;
	v8 =	vld [tilespmem:s10+$0x400]  }
0xb8: {  	v3 =	vadd.f32 v4, v3;
	v4 =	vld [tilespmem:s10+$0x410]  }
0xb9: {  	v2 =	vadd.f32 v5, v2;
	v5 =	vld [tilespmem:s10+$0x480]  }
0xba: {  	v3 =	vadd.f32 v6, v3;
	v6 =	vld [tilespmem:s10+$0x490]  }
0xbb: {  	v2 =	vadd.f32 v7, v2  }
.Ltmp3:
0xbc: {  	v3 =	vadd.f32 v8, v3;
	(pc) =	sbr.rel @p0 .LBB2_9-.Ltmp3, $4  }
0xbd: {  	v2 =	vadd.f32 v4, v2  }
0xbe: {  	v3 =	vadd.f32 v5, v3  }
0xbf: {  	s20 =	sshra.s32 s20, $0x2;
	v2 =	vadd.f32 v6, v2  }
0xc0: {  	[tilespmem:s20+$0x16300] =	vst v3  }
0xc1: {  	[tilespmem:s20+$0x16310] =	vst v2;
	s10 =	sadd.s32 $0x800, s8  }
0xc2: {  	[tilespmem:s17], [sflag:$0x4] =	stream.indirect.gather [hbm4b:s3+s12], $0x80, s10, s12, $0xb8;
	[tilespmem:$0x17100] =	vst v63  }
0xc3: {  	_ =	swait.ge [sflag:s15], $0x800  }
0xc4: {  	[sflag:s15] =	ssyncset.done $0x0  }
0xc5: {  	[sflag:s15] =	ssyncadd.s32 $0xFFFFF800  }
0xc6: {  	v2 =	vld [tilespmem:s8+$0x16F00];
	_ =	sdelay $0x3  }
0xc7: {  	s16 =	simm.s32 $0x0  }
0xc8: {  	v3 =	vadd.s32 s16, v2  }
0xc9: {  	v3 =	vadd.s32 v0, v3;
	_ =	sdelay $0x3  }
0xca: {  	s8 =	simm.s32 $0x1  }
0xcb: {  	s10 =	simm.s32 $0x2;
	v4 =	vadd.s32 s16, v1;
	v5 =	vadd.s32 s8, v2;
	v3 =	vld.idx.msk [tilespmem:v3+s14+$0x0], $0xffff  }
.LBB2_11:
0xcc: {  	p0 =	sne.s32 s10, $0x13;
	v5 =	vadd.s32 v0, v5;
	_ =	sdelay $0x1  }
.Ltmp4:
0xcd: {  	(pc) =	sbr.rel @p0 .LBB2_11-.Ltmp4, $4  }
0xce: {  	_ = 	snop  }
0xcf: {  	[tilespmem:v4+s18+$0x0] =	vst.idx.msk $0xffff, v3  }
0xd0: {  	v3 =	vld.idx.msk [tilespmem:v5+s14+$0x0], $0xffff  }
0xd1: {  	v4 =	vadd.s32 s8, v1;
	s8 =	smov.u32 s10;
	v5 =	vadd.s32 s10, v2;
	s10 =	sadd.s32 $0x1, s10  }
0xd2: {  	v2 =	vadd.s32 v0, v5;
	_ =	sdelay $0x3  }
0xd3: {  	[tilespmem:v4+s18+$0x0] =	vst.idx.msk $0xffff, v3  }
0xd4: {  	v3 =	vadd.s32 s8, v1;
	v2 =	vld.idx.msk [tilespmem:v2+s14+$0x0], $0xffff;
	_ =	sdelay $0x4  }
0xd5: {  	s20 =	simm.s32 $0x1000;
	[tilespmem:v3+s18+$0x0] =	vst.idx.msk $0xffff, v2  }
0xd6: {  	[tilespmem:s20], [sflag:$0x1] =	stream.indirect.gather [hbm4b:s4+s19], $0x80, s18, s19, $0xb8;
	[tilespmem:$0x17100] =	vst v63  }
0xd7: {  	_ = 	snop  }
0xd8: {  	[tilespmem:s22], [sflag:$0x1] =	stream.indirect.gather [hbm4b:s4+s19], $0x80, s21, s19, $0xb8;
	[tilespmem:$0x17100] =	vst v63  }
0xd9: {  	_ = 	snop  }
0xda: {  	[tilespmem:s25], [sflag:$0x1] =	stream.indirect.gather [hbm4b:s4+s23], $0x80, s24, s23, $0xb8;
	[tilespmem:$0x17100] =	vst v63  }
0xdb: {  	_ =	swait.ge [sflag:s11], $0xA000  }
0xdc: {  	[sflag:s11] =	ssyncset.done $0x0  }
0xdd: {  	s8 =	simm.s32 $0xB500;
	[sflag:s11] =	ssyncadd.s32 $0xFFFF6000  }
0xde: {  	v2 =	vld [tilespmem:s8+$0xFFFFFB90]  }
0xdf: {  	v3 =	vld [tilespmem:s8+$0xFFFFFB00]  }
0xe0: {  	v30 =	vld [tilespmem:s8+$0xFFFFFB80]  }
0xe1: {  	v31 =	vld [tilespmem:s8+$0xFFFFFB10]  }
0xe2: {  	v6 =	vld [tilespmem:s8+$0xFFFFFC00]  }
0xe3: {  	v7 =	vld [tilespmem:s8+$0xFFFFFC10]  }
0xe4: {  	v8 =	vld [tilespmem:s8+$0xFFFFFC80]  }
0xe5: {  	v32 =	vld [tilespmem:s8+$0xFFFFFC90];
	v3 =	vadd.f32 v30, v3  }
0xe6: {  	v9 =	vld [tilespmem:s8+$0xFFFFFD00]  }
0xe7: {  	v33 =	vld [tilespmem:s8+$0xFFFFFD10];
	v2 =	vadd.f32 v2, v31;
	v3 =	vadd.f32 v6, v3  }
0xe8: {  	v34 =	vld [tilespmem:s8+$0xFFFFFD80]  }
0xe9: {  	v35 =	vld [tilespmem:s8+$0xFFFFFD90];
	v2 =	vadd.f32 v7, v2;
	v3 =	vadd.f32 v8, v3  }
0xea: {  	v36 =	vld [tilespmem:s8+$0xFFFFFE00]  }
0xeb: {  	v37 =	vld [tilespmem:s8+$0xFFFFFE10];
	v2 =	vadd.f32 v32, v2;
	v3 =	vadd.f32 v9, v3  }
0xec: {  	v38 =	vld [tilespmem:s8+$0xFFFFFE80]  }
0xed: {  	v39 =	vld [tilespmem:s8+$0xFFFFFE90];
	v2 =	vadd.f32 v33, v2;
	v3 =	vadd.f32 v34, v3  }
0xee: {  	v40 =	vld [tilespmem:s8+$0xFFFFFF00]  }
0xef: {  	v41 =	vld [tilespmem:s8+$0xFFFFFF10];
	v2 =	vadd.f32 v35, v2;
	v3 =	vadd.f32 v36, v3  }
0xf0: {  	v42 =	vld [tilespmem:s8+$0xFFFFFF80]  }
0xf1: {  	v43 =	vld [tilespmem:s8+$0xFFFFFF90];
	v2 =	vadd.f32 v37, v2;
	v3 =	vadd.f32 v38, v3  }
0xf2: {  	v44 =	vld [tilespmem:s8+$0x0]  }
0xf3: {  	v45 =	vld [tilespmem:s8+$0x10];
	v2 =	vadd.f32 v39, v2;
	v3 =	vadd.f32 v40, v3  }
0xf4: {  	v46 =	vld [tilespmem:s8+$0x80]  }
0xf5: {  	v47 =	vld [tilespmem:s8+$0x90];
	v2 =	vadd.f32 v41, v2;
	v3 =	vadd.f32 v42, v3  }
0xf6: {  	v48 =	vld [tilespmem:s8+$0x100]  }
0xf7: {  	v49 =	vld [tilespmem:s8+$0x110];
	v2 =	vadd.f32 v43, v2;
	v3 =	vadd.f32 v44, v3  }
0xf8: {  	v50 =	vld [tilespmem:s8+$0x180]  }
0xf9: {  	v51 =	vld [tilespmem:s8+$0x190];
	v2 =	vadd.f32 v45, v2;
	v3 =	vadd.f32 v46, v3  }
0xfa: {  	v52 =	vld [tilespmem:s8+$0x200]  }
0xfb: {  	v53 =	vld [tilespmem:s8+$0x210];
	v2 =	vadd.f32 v47, v2;
	v3 =	vadd.f32 v48, v3  }
0xfc: {  	v54 =	vld [tilespmem:s8+$0x280]  }
0xfd: {  	v55 =	vld [tilespmem:s8+$0x290];
	v2 =	vadd.f32 v49, v2;
	v3 =	vadd.f32 v50, v3  }
0xfe: {  	v56 =	vld [tilespmem:s8+$0x300]  }
0xff: {  	v57 =	vld [tilespmem:s8+$0x310];
	v2 =	vadd.f32 v51, v2;
	v3 =	vadd.f32 v52, v3  }
0x100: {  	v58 =	vld [tilespmem:s8+$0x380]  }
0x101: {  	v59 =	vld [tilespmem:s8+$0x390];
	v2 =	vadd.f32 v53, v2;
	v3 =	vadd.f32 v54, v3  }
0x102: {  	v60 =	vld [tilespmem:s8+$0x400]  }
0x103: {  	v61 =	vld [tilespmem:s8+$0x410];
	v2 =	vadd.f32 v55, v2;
	v3 =	vadd.f32 v56, v3  }
0x104: {  	v62 =	vld [tilespmem:s8+$0x480]  }
0x105: {  	v2 =	vadd.f32 v57, v2;
	v3 =	vadd.f32 v58, v3  }
0x106: {  	v63 =	vld [tilespmem:s8+$0x490]  }
0x107: {  	v2 =	vadd.f32 v59, v2;
	v3 =	vadd.f32 v60, v3;
	_ =	sdelay $0x1  }
0x108: {  	v2 =	vadd.f32 v61, v2;
	v3 =	vadd.f32 v62, v3  }
0x109: {  	s20 =	simm.s32 $0x0  }
0x10a: {  	s10 =	simm.s32 $0x0;
	s16 =	simm.s32 $0x200;
	v2 =	vadd.f32 v63, v2;
	[tilespmem:s20+$0x0] =	vst v3  }
.LBB2_13:
0x10b: {  	p0 =	sne.s32 s16, $0x1E00  }
0x10c: {  	[tilespmem:s20+$0x10] =	vst v2;
	s8 =	sadd.s32 $0xA00, s8;
	s20 =	smov.u32 s16;
	s16 =	sadd.s32 $0x200, s16  }
0x10d: {  	v2 =	vld [tilespmem:s8+$0xFFFFFB90]  }
0x10e: {  	v3 =	vld [tilespmem:s8+$0xFFFFFB00]  }
0x10f: {  	v4 =	vld [tilespmem:s8+$0xFFFFFB80]  }
0x110: {  	v5 =	vld [tilespmem:s8+$0xFFFFFB10]  }
0x111: {  	v6 =	vld [tilespmem:s8+$0xFFFFFC00]  }
0x112: {  	v7 =	vld [tilespmem:s8+$0xFFFFFC10]  }
0x113: {  	v8 =	vld [tilespmem:s8+$0xFFFFFC80]  }
0x114: {  	v3 =	vadd.f32 v4, v3;
	v4 =	vld [tilespmem:s8+$0xFFFFFC90]  }
0x115: {  	v2 =	vadd.f32 v2, v5;
	v5 =	vld [tilespmem:s8+$0xFFFFFD00]  }
0x116: {  	v3 =	vadd.f32 v6, v3;
	v6 =	vld [tilespmem:s8+$0xFFFFFD10]  }
0x117: {  	v2 =	vadd.f32 v7, v2;
	v7 =	vld [tilespmem:s8+$0xFFFFFD80]  }
0x118: {  	v3 =	vadd.f32 v8, v3;
	v8 =	vld [tilespmem:s8+$0xFFFFFD90]  }
0x119: {  	v2 =	vadd.f32 v4, v2;
	v4 =	vld [tilespmem:s8+$0xFFFFFE00]  }
0x11a: {  	v3 =	vadd.f32 v5, v3;
	v5 =	vld [tilespmem:s8+$0xFFFFFE10]  }
0x11b: {  	v2 =	vadd.f32 v6, v2;
	v6 =	vld [tilespmem:s8+$0xFFFFFE80]  }
0x11c: {  	v3 =	vadd.f32 v7, v3;
	v7 =	vld [tilespmem:s8+$0xFFFFFE90]  }
0x11d: {  	v2 =	vadd.f32 v8, v2;
	v8 =	vld [tilespmem:s8+$0xFFFFFF00]  }
0x11e: {  	v3 =	vadd.f32 v4, v3;
	v4 =	vld [tilespmem:s8+$0xFFFFFF10]  }
0x11f: {  	v2 =	vadd.f32 v5, v2;
	v5 =	vld [tilespmem:s8+$0xFFFFFF80]  }
0x120: {  	v3 =	vadd.f32 v6, v3;
	v6 =	vld [tilespmem:s8+$0xFFFFFF90]  }
0x121: {  	v2 =	vadd.f32 v7, v2;
	v7 =	vld [tilespmem:s8+$0x0]  }
0x122: {  	v3 =	vadd.f32 v8, v3;
	v8 =	vld [tilespmem:s8+$0x10]  }
0x123: {  	v2 =	vadd.f32 v4, v2;
	v4 =	vld [tilespmem:s8+$0x80]  }
0x124: {  	v3 =	vadd.f32 v5, v3;
	v5 =	vld [tilespmem:s8+$0x90]  }
0x125: {  	v2 =	vadd.f32 v6, v2;
	v6 =	vld [tilespmem:s8+$0x100]  }
0x126: {  	v3 =	vadd.f32 v7, v3;
	v7 =	vld [tilespmem:s8+$0x110]  }
0x127: {  	v2 =	vadd.f32 v8, v2;
	v8 =	vld [tilespmem:s8+$0x180]  }
0x128: {  	v3 =	vadd.f32 v4, v3;
	v4 =	vld [tilespmem:s8+$0x190]  }
0x129: {  	v2 =	vadd.f32 v5, v2;
	v5 =	vld [tilespmem:s8+$0x200]  }
0x12a: {  	v3 =	vadd.f32 v6, v3;
	v6 =	vld [tilespmem:s8+$0x210]  }
0x12b: {  	v2 =	vadd.f32 v7, v2;
	v7 =	vld [tilespmem:s8+$0x280]  }
0x12c: {  	v3 =	vadd.f32 v8, v3;
	v8 =	vld [tilespmem:s8+$0x290]  }
0x12d: {  	v2 =	vadd.f32 v4, v2;
	v4 =	vld [tilespmem:s8+$0x300]  }
0x12e: {  	v3 =	vadd.f32 v5, v3;
	v5 =	vld [tilespmem:s8+$0x310]  }
0x12f: {  	v2 =	vadd.f32 v6, v2;
	v6 =	vld [tilespmem:s8+$0x380]  }
0x130: {  	v3 =	vadd.f32 v7, v3;
	v7 =	vld [tilespmem:s8+$0x390]  }
0x131: {  	v2 =	vadd.f32 v8, v2;
	v8 =	vld [tilespmem:s8+$0x400]  }
0x132: {  	v3 =	vadd.f32 v4, v3;
	v4 =	vld [tilespmem:s8+$0x410]  }
0x133: {  	v2 =	vadd.f32 v5, v2;
	v5 =	vld [tilespmem:s8+$0x480]  }
0x134: {  	v3 =	vadd.f32 v6, v3;
	v6 =	vld [tilespmem:s8+$0x490]  }
0x135: {  	v2 =	vadd.f32 v7, v2  }
.Ltmp5:
0x136: {  	v3 =	vadd.f32 v8, v3;
	(pc) =	sbr.rel @p0 .LBB2_13-.Ltmp5, $4  }
0x137: {  	v2 =	vadd.f32 v4, v2  }
0x138: {  	v3 =	vadd.f32 v5, v3  }
0x139: {  	s20 =	sshra.s32 s20, $0x2;
	v2 =	vadd.f32 v6, v2  }
0x13a: {  	[tilespmem:s20+$0x0] =	vst v3  }
0x13b: {  	v3 =	vmov s10  }
0x13c: {  	v3 =	vand.u32 $0x7F, v3  }
0x13d: {  	v3 =	vbroadcast v3, $0x0;
	_ =	sdelay $0x1  }
0x13e: {  	s8 =	simm.s32 $0x1;
	v3 =	vor.u32 v0, v3  }
0x13f: {  	v4 =	vmov s8  }
0x140: {  	v4 =	vand.u32 $0x7F, v4  }
0x141: {  	v4 =	vbroadcast v4, $0x0  }
0x142: {  	[tilespmem:s20+$0x10] =	vst v2  }
0x143: {  	v4 =	vor.u32 v0, v4;
	v6 =	vld.idx.msk [tilespmem:v3+s13+$0x0], $0xffff  }
0x144: {  	s20 =	simm.s32 $0x2;
	v7 =	vld.idx.msk [tilespmem:v3+s1+$0x0], $0xffff  }
0x145: {  	v2 =	vmov s20  }
0x146: {  	v2 =	vand.u32 $0x7F, v2  }
0x147: {  	v5 =	vbroadcast v2, $0x0  }
0x148: {  	v2 =	vld.idx.msk [tilespmem:v4+s13+$0x0], $0xffff  }
0x149: {  	s8 =	simm.s32 $0x3;
	v5 =	vor.u32 v0, v5;
	v3 =	vimm.f32 $0.0e+00;
	v4 =	vld.idx.msk [tilespmem:v4+s1+$0x0], $0xffff;
	v6 =	vmul.f32 v7, v6  }
.LBB2_15:
0x14a: {  	p0 =	sne.s32 s8, $0x1F  }
.Ltmp6:
0x14b: {  	v7 =	vmov s8;
	v3 =	vadd.f32 v6, v3;
	(pc) =	sbr.rel @p0 .LBB2_15-.Ltmp6, $4  }
0x14c: {  	s8 =	sadd.s32 $0x1, s8;
	v8 =	vand.u32 $0x7F, v7  }
0x14d: {  	v7 =	vbroadcast v8, $0x0  }
0x14e: {  	v6 =	vmov v2;
	v2 =	vld.idx.msk [tilespmem:v5+s13+$0x0], $0xffff  }
0x14f: {  	v6 =	vmul.f32 v4, v6;
	v4 =	vld.idx.msk [tilespmem:v5+s1+$0x0], $0xffff;
	v5 =	vor.u32 v0, v7  }
0x150: {  	_ =	sdelay $0x3  }
0x151: {  	v7 =	vld.idx.msk [tilespmem:v5+s13+$0x0], $0xffff  }
0x152: {  	v63 =	vld.idx.msk [tilespmem:v5+s1+$0x0], $0xffff;
	_ =	sdelay $0x2  }
0x153: {  	s6 =	sadd.s32 $0x1, s6;
	v3 =	vadd.f32 v6, v3;
	v2 =	vmul.f32 v4, v2  }
0x154: {  	p0 =	sne.s32 s6, $0x1F  }
.Ltmp7:
0x155: {  	v2 =	vadd.f32 v2, v3;
	v3 =	vmul.f32 v63, v7;
	(pc) =	sbr.rel @p0 .LBB2_6-.Ltmp7, $3  }
0x156: {  	_ = 	snop  }
0x157: {  	v2 =	vadd.f32 v3, v2;
	_ =	sdelay $0x1  }
0x158: {  	[tilespmem:s7+$0xE00] =	vst v2  }
0x159: {  	_ =	swait.ge [sflag:s26], $0x800  }
0x15a: {  	[sflag:s26] =	ssyncset.done $0x0  }
0x15b: {  	[sflag:s26] =	ssyncadd.s32 $0xFFFFF800  }
0x15c: {  	v2 =	vld [tilespmem:$0xDF0];
	_ =	sdelay $0x3  }
0x15d: {  	s7 =	simm.s32 $0x0  }
0x15e: {  	v3 =	vadd.s32 s7, v2  }
0x15f: {  	v3 =	vadd.s32 v0, v3;
	_ =	sdelay $0x3  }
0x160: {  	s5 =	simm.s32 $0x1  }
0x161: {  	s6 =	simm.s32 $0x2;
	v4 =	vadd.s32 s7, v1;
	v5 =	vadd.s32 s5, v2;
	v3 =	vld.idx.msk [tilespmem:v3+s17+$0x0], $0xffff  }
.LBB2_18:
0x162: {  	p0 =	sne.s32 s6, $0x13;
	v5 =	vadd.s32 v0, v5;
	_ =	sdelay $0x1  }
.Ltmp8:
0x163: {  	(pc) =	sbr.rel @p0 .LBB2_18-.Ltmp8, $4  }
0x164: {  	_ = 	snop  }
0x165: {  	[tilespmem:v4+s28+$0x0] =	vst.idx.msk $0xffff, v3  }
0x166: {  	v3 =	vld.idx.msk [tilespmem:v5+s17+$0x0], $0xffff  }
0x167: {  	v4 =	vadd.s32 s5, v1;
	s5 =	smov.u32 s6;
	v5 =	vadd.s32 s6, v2;
	s6 =	sadd.s32 $0x1, s6  }
0x168: {  	v2 =	vadd.s32 v0, v5;
	_ =	sdelay $0x3  }
0x169: {  	[tilespmem:v4+s28+$0x0] =	vst.idx.msk $0xffff, v3  }
0x16a: {  	v3 =	vadd.s32 s5, v1;
	v2 =	vld.idx.msk [tilespmem:v2+s17+$0x0], $0xffff;
	_ =	sdelay $0x4  }
0x16b: {  	[tilespmem:v3+s28+$0x0] =	vst.idx.msk $0xffff, v2  }
0x16c: {  	[tilespmem:s29], [sflag:$0x2] =	stream.indirect.gather [hbm4b:s4+s19], $0x80, s28, s19, $0xb8;
	[tilespmem:$0x17100] =	vst v63  }
0x16d: {  	_ = 	snop  }
0x16e: {  	[tilespmem:s31], [sflag:$0x2] =	stream.indirect.gather [hbm4b:s4+s19], $0x80, s30, s19, $0xb8;
	[tilespmem:$0x17100] =	vst v63  }
0x16f: {  	_ = 	snop  }
0x170: {  	[tilespmem:s2], [sflag:$0x2] =	stream.indirect.gather [hbm4b:s4+s23], $0x80, s0, s23, $0xb8;
	[tilespmem:$0x17100] =	vst v63  }
0x171: {  	_ =	swait.ge [sflag:s9], $0xA000  }
0x172: {  	[sflag:s9] =	ssyncset.done $0x0  }
0x173: {  	s5 =	simm.s32 $0x1500;
	[sflag:s9] =	ssyncadd.s32 $0xFFFF6000  }
0x174: {  	v2 =	vld [tilespmem:s5+$0xFFFFFB90]  }
0x175: {  	v3 =	vld [tilespmem:s5+$0xFFFFFB00]  }
0x176: {  	v30 =	vld [tilespmem:s5+$0xFFFFFB80]  }
0x177: {  	v31 =	vld [tilespmem:s5+$0xFFFFFB10]  }
0x178: {  	v6 =	vld [tilespmem:s5+$0xFFFFFC00]  }
0x179: {  	v7 =	vld [tilespmem:s5+$0xFFFFFC10]  }
0x17a: {  	v8 =	vld [tilespmem:s5+$0xFFFFFC80]  }
0x17b: {  	v32 =	vld [tilespmem:s5+$0xFFFFFC90];
	v3 =	vadd.f32 v30, v3  }
0x17c: {  	v9 =	vld [tilespmem:s5+$0xFFFFFD00]  }
0x17d: {  	v33 =	vld [tilespmem:s5+$0xFFFFFD10];
	v2 =	vadd.f32 v2, v31;
	v3 =	vadd.f32 v6, v3  }
0x17e: {  	v34 =	vld [tilespmem:s5+$0xFFFFFD80]  }
0x17f: {  	v35 =	vld [tilespmem:s5+$0xFFFFFD90];
	v2 =	vadd.f32 v7, v2;
	v3 =	vadd.f32 v8, v3  }
0x180: {  	v36 =	vld [tilespmem:s5+$0xFFFFFE00]  }
0x181: {  	v37 =	vld [tilespmem:s5+$0xFFFFFE10];
	v2 =	vadd.f32 v32, v2;
	v3 =	vadd.f32 v9, v3  }
0x182: {  	v38 =	vld [tilespmem:s5+$0xFFFFFE80]  }
0x183: {  	v39 =	vld [tilespmem:s5+$0xFFFFFE90];
	v2 =	vadd.f32 v33, v2;
	v3 =	vadd.f32 v34, v3  }
0x184: {  	v40 =	vld [tilespmem:s5+$0xFFFFFF00]  }
0x185: {  	v41 =	vld [tilespmem:s5+$0xFFFFFF10];
	v2 =	vadd.f32 v35, v2;
	v3 =	vadd.f32 v36, v3  }
0x186: {  	v42 =	vld [tilespmem:s5+$0xFFFFFF80]  }
0x187: {  	v43 =	vld [tilespmem:s5+$0xFFFFFF90];
	v2 =	vadd.f32 v37, v2;
	v3 =	vadd.f32 v38, v3  }
0x188: {  	v44 =	vld [tilespmem:s5+$0x0]  }
0x189: {  	v45 =	vld [tilespmem:s5+$0x10];
	v2 =	vadd.f32 v39, v2;
	v3 =	vadd.f32 v40, v3  }
0x18a: {  	v46 =	vld [tilespmem:s5+$0x80]  }
0x18b: {  	v47 =	vld [tilespmem:s5+$0x90];
	v2 =	vadd.f32 v41, v2;
	v3 =	vadd.f32 v42, v3  }
0x18c: {  	v48 =	vld [tilespmem:s5+$0x100]  }
0x18d: {  	v49 =	vld [tilespmem:s5+$0x110];
	v2 =	vadd.f32 v43, v2;
	v3 =	vadd.f32 v44, v3  }
0x18e: {  	v50 =	vld [tilespmem:s5+$0x180]  }
0x18f: {  	v51 =	vld [tilespmem:s5+$0x190];
	v2 =	vadd.f32 v45, v2;
	v3 =	vadd.f32 v46, v3  }
0x190: {  	v52 =	vld [tilespmem:s5+$0x200]  }
0x191: {  	v53 =	vld [tilespmem:s5+$0x210];
	v2 =	vadd.f32 v47, v2;
	v3 =	vadd.f32 v48, v3  }
0x192: {  	v54 =	vld [tilespmem:s5+$0x280]  }
0x193: {  	v55 =	vld [tilespmem:s5+$0x290];
	v2 =	vadd.f32 v49, v2;
	v3 =	vadd.f32 v50, v3  }
0x194: {  	v56 =	vld [tilespmem:s5+$0x300]  }
0x195: {  	v57 =	vld [tilespmem:s5+$0x310];
	v2 =	vadd.f32 v51, v2;
	v3 =	vadd.f32 v52, v3  }
0x196: {  	v58 =	vld [tilespmem:s5+$0x380]  }
0x197: {  	v59 =	vld [tilespmem:s5+$0x390];
	v2 =	vadd.f32 v53, v2;
	v3 =	vadd.f32 v54, v3  }
0x198: {  	v60 =	vld [tilespmem:s5+$0x400]  }
0x199: {  	v61 =	vld [tilespmem:s5+$0x410];
	v2 =	vadd.f32 v55, v2;
	v3 =	vadd.f32 v56, v3  }
0x19a: {  	v62 =	vld [tilespmem:s5+$0x480]  }
0x19b: {  	v2 =	vadd.f32 v57, v2;
	v3 =	vadd.f32 v58, v3  }
0x19c: {  	v63 =	vld [tilespmem:s5+$0x490]  }
0x19d: {  	v2 =	vadd.f32 v59, v2;
	v3 =	vadd.f32 v60, v3;
	_ =	sdelay $0x1  }
0x19e: {  	v2 =	vadd.f32 v61, v2;
	v3 =	vadd.f32 v62, v3  }
0x19f: {  	s7 =	simm.s32 $0x0  }
0x1a0: {  	s6 =	simm.s32 $0x200;
	v2 =	vadd.f32 v63, v2;
	[tilespmem:s7+$0x16300] =	vst v3  }
.LBB2_20:
0x1a1: {  	p0 =	sne.s32 s6, $0x1E00  }
0x1a2: {  	[tilespmem:s7+$0x16310] =	vst v2;
	s5 =	sadd.s32 $0xA00, s5;
	s7 =	smov.u32 s6;
	s6 =	sadd.s32 $0x200, s6  }
0x1a3: {  	v2 =	vld [tilespmem:s5+$0xFFFFFB90]  }
0x1a4: {  	v3 =	vld [tilespmem:s5+$0xFFFFFB00]  }
0x1a5: {  	v4 =	vld [tilespmem:s5+$0xFFFFFB80]  }
0x1a6: {  	v5 =	vld [tilespmem:s5+$0xFFFFFB10]  }
0x1a7: {  	v6 =	vld [tilespmem:s5+$0xFFFFFC00]  }
0x1a8: {  	v7 =	vld [tilespmem:s5+$0xFFFFFC10]  }
0x1a9: {  	v8 =	vld [tilespmem:s5+$0xFFFFFC80]  }
0x1aa: {  	v3 =	vadd.f32 v4, v3;
	v4 =	vld [tilespmem:s5+$0xFFFFFC90]  }
0x1ab: {  	v2 =	vadd.f32 v2, v5;
	v5 =	vld [tilespmem:s5+$0xFFFFFD00]  }
0x1ac: {  	v3 =	vadd.f32 v6, v3;
	v6 =	vld [tilespmem:s5+$0xFFFFFD10]  }
0x1ad: {  	v2 =	vadd.f32 v7, v2;
	v7 =	vld [tilespmem:s5+$0xFFFFFD80]  }
0x1ae: {  	v3 =	vadd.f32 v8, v3;
	v8 =	vld [tilespmem:s5+$0xFFFFFD90]  }
0x1af: {  	v2 =	vadd.f32 v4, v2;
	v4 =	vld [tilespmem:s5+$0xFFFFFE00]  }
0x1b0: {  	v3 =	vadd.f32 v5, v3;
	v5 =	vld [tilespmem:s5+$0xFFFFFE10]  }
0x1b1: {  	v2 =	vadd.f32 v6, v2;
	v6 =	vld [tilespmem:s5+$0xFFFFFE80]  }
0x1b2: {  	v3 =	vadd.f32 v7, v3;
	v7 =	vld [tilespmem:s5+$0xFFFFFE90]  }
0x1b3: {  	v2 =	vadd.f32 v8, v2;
	v8 =	vld [tilespmem:s5+$0xFFFFFF00]  }
0x1b4: {  	v3 =	vadd.f32 v4, v3;
	v4 =	vld [tilespmem:s5+$0xFFFFFF10]  }
0x1b5: {  	v2 =	vadd.f32 v5, v2;
	v5 =	vld [tilespmem:s5+$0xFFFFFF80]  }
0x1b6: {  	v3 =	vadd.f32 v6, v3;
	v6 =	vld [tilespmem:s5+$0xFFFFFF90]  }
0x1b7: {  	v2 =	vadd.f32 v7, v2;
	v7 =	vld [tilespmem:s5+$0x0]  }
0x1b8: {  	v3 =	vadd.f32 v8, v3;
	v8 =	vld [tilespmem:s5+$0x10]  }
0x1b9: {  	v2 =	vadd.f32 v4, v2;
	v4 =	vld [tilespmem:s5+$0x80]  }
0x1ba: {  	v3 =	vadd.f32 v5, v3;
	v5 =	vld [tilespmem:s5+$0x90]  }
0x1bb: {  	v2 =	vadd.f32 v6, v2;
	v6 =	vld [tilespmem:s5+$0x100]  }
0x1bc: {  	v3 =	vadd.f32 v7, v3;
	v7 =	vld [tilespmem:s5+$0x110]  }
0x1bd: {  	v2 =	vadd.f32 v8, v2;
	v8 =	vld [tilespmem:s5+$0x180]  }
0x1be: {  	v3 =	vadd.f32 v4, v3;
	v4 =	vld [tilespmem:s5+$0x190]  }
0x1bf: {  	v2 =	vadd.f32 v5, v2;
	v5 =	vld [tilespmem:s5+$0x200]  }
0x1c0: {  	v3 =	vadd.f32 v6, v3;
	v6 =	vld [tilespmem:s5+$0x210]  }
0x1c1: {  	v2 =	vadd.f32 v7, v2;
	v7 =	vld [tilespmem:s5+$0x280]  }
0x1c2: {  	v3 =	vadd.f32 v8, v3;
	v8 =	vld [tilespmem:s5+$0x290]  }
0x1c3: {  	v2 =	vadd.f32 v4, v2;
	v4 =	vld [tilespmem:s5+$0x300]  }
0x1c4: {  	v3 =	vadd.f32 v5, v3;
	v5 =	vld [tilespmem:s5+$0x310]  }
0x1c5: {  	v2 =	vadd.f32 v6, v2;
	v6 =	vld [tilespmem:s5+$0x380]  }
0x1c6: {  	v3 =	vadd.f32 v7, v3;
	v7 =	vld [tilespmem:s5+$0x390]  }
0x1c7: {  	v2 =	vadd.f32 v8, v2;
	v8 =	vld [tilespmem:s5+$0x400]  }
0x1c8: {  	v3 =	vadd.f32 v4, v3;
	v4 =	vld [tilespmem:s5+$0x410]  }
0x1c9: {  	v2 =	vadd.f32 v5, v2;
	v5 =	vld [tilespmem:s5+$0x480]  }
0x1ca: {  	v3 =	vadd.f32 v6, v3;
	v6 =	vld [tilespmem:s5+$0x490]  }
0x1cb: {  	v2 =	vadd.f32 v7, v2  }
.Ltmp9:
0x1cc: {  	v3 =	vadd.f32 v8, v3;
	(pc) =	sbr.rel @p0 .LBB2_20-.Ltmp9, $4  }
0x1cd: {  	v2 =	vadd.f32 v4, v2  }
0x1ce: {  	v3 =	vadd.f32 v5, v3  }
0x1cf: {  	s7 =	sshra.s32 s7, $0x2;
	v2 =	vadd.f32 v6, v2  }
0x1d0: {  	[tilespmem:s7+$0x16300] =	vst v3  }
0x1d1: {  	[tilespmem:s7+$0x16310] =	vst v2  }
0x1d2: {  	_ =	swait.ge [sflag:s11], $0xA000  }
0x1d3: {  	[sflag:s11] =	ssyncset.done $0x0  }
0x1d4: {  	s5 =	simm.s32 $0xB500;
	[sflag:s11] =	ssyncadd.s32 $0xFFFF6000  }
0x1d5: {  	v2 =	vld [tilespmem:s5+$0xFFFFFB90]  }
0x1d6: {  	v3 =	vld [tilespmem:s5+$0xFFFFFB00]  }
0x1d7: {  	v4 =	vld [tilespmem:s5+$0xFFFFFB80]  }
0x1d8: {  	v5 =	vld [tilespmem:s5+$0xFFFFFB10]  }
0x1d9: {  	v6 =	vld [tilespmem:s5+$0xFFFFFC00]  }
0x1da: {  	v7 =	vld [tilespmem:s5+$0xFFFFFC10]  }
0x1db: {  	v8 =	vld [tilespmem:s5+$0xFFFFFC80]  }
0x1dc: {  	v32 =	vld [tilespmem:s5+$0xFFFFFC90];
	v3 =	vadd.f32 v4, v3  }
0x1dd: {  	v9 =	vld [tilespmem:s5+$0xFFFFFD00]  }
0x1de: {  	v33 =	vld [tilespmem:s5+$0xFFFFFD10];
	v2 =	vadd.f32 v2, v5;
	v3 =	vadd.f32 v6, v3  }
0x1df: {  	v34 =	vld [tilespmem:s5+$0xFFFFFD80]  }
0x1e0: {  	v35 =	vld [tilespmem:s5+$0xFFFFFD90];
	v2 =	vadd.f32 v7, v2;
	v3 =	vadd.f32 v8, v3  }
0x1e1: {  	v36 =	vld [tilespmem:s5+$0xFFFFFE00]  }
0x1e2: {  	v37 =	vld [tilespmem:s5+$0xFFFFFE10];
	v2 =	vadd.f32 v32, v2;
	v3 =	vadd.f32 v9, v3  }
0x1e3: {  	v38 =	vld [tilespmem:s5+$0xFFFFFE80]  }
0x1e4: {  	v39 =	vld [tilespmem:s5+$0xFFFFFE90];
	v2 =	vadd.f32 v33, v2;
	v3 =	vadd.f32 v34, v3  }
0x1e5: {  	v40 =	vld [tilespmem:s5+$0xFFFFFF00]  }
0x1e6: {  	v41 =	vld [tilespmem:s5+$0xFFFFFF10];
	v2 =	vadd.f32 v35, v2;
	v3 =	vadd.f32 v36, v3  }
0x1e7: {  	v42 =	vld [tilespmem:s5+$0xFFFFFF80]  }
0x1e8: {  	v43 =	vld [tilespmem:s5+$0xFFFFFF90];
	v2 =	vadd.f32 v37, v2;
	v3 =	vadd.f32 v38, v3  }
0x1e9: {  	v44 =	vld [tilespmem:s5+$0x0]  }
0x1ea: {  	v45 =	vld [tilespmem:s5+$0x10];
	v2 =	vadd.f32 v39, v2;
	v3 =	vadd.f32 v40, v3  }
0x1eb: {  	v46 =	vld [tilespmem:s5+$0x80]  }
0x1ec: {  	v47 =	vld [tilespmem:s5+$0x90];
	v2 =	vadd.f32 v41, v2;
	v3 =	vadd.f32 v42, v3  }
0x1ed: {  	v48 =	vld [tilespmem:s5+$0x100]  }
0x1ee: {  	v49 =	vld [tilespmem:s5+$0x110];
	v2 =	vadd.f32 v43, v2;
	v3 =	vadd.f32 v44, v3  }
0x1ef: {  	v50 =	vld [tilespmem:s5+$0x180]  }
0x1f0: {  	v51 =	vld [tilespmem:s5+$0x190];
	v2 =	vadd.f32 v45, v2;
	v3 =	vadd.f32 v46, v3  }
0x1f1: {  	v52 =	vld [tilespmem:s5+$0x200]  }
0x1f2: {  	v53 =	vld [tilespmem:s5+$0x210];
	v2 =	vadd.f32 v47, v2;
	v3 =	vadd.f32 v48, v3  }
0x1f3: {  	v54 =	vld [tilespmem:s5+$0x280]  }
0x1f4: {  	v55 =	vld [tilespmem:s5+$0x290];
	v2 =	vadd.f32 v49, v2;
	v3 =	vadd.f32 v50, v3  }
0x1f5: {  	v56 =	vld [tilespmem:s5+$0x300]  }
0x1f6: {  	v57 =	vld [tilespmem:s5+$0x310];
	v2 =	vadd.f32 v51, v2;
	v3 =	vadd.f32 v52, v3  }
0x1f7: {  	v58 =	vld [tilespmem:s5+$0x380]  }
0x1f8: {  	v59 =	vld [tilespmem:s5+$0x390];
	v2 =	vadd.f32 v53, v2;
	v3 =	vadd.f32 v54, v3  }
0x1f9: {  	v60 =	vld [tilespmem:s5+$0x400]  }
0x1fa: {  	v61 =	vld [tilespmem:s5+$0x410];
	v2 =	vadd.f32 v55, v2;
	v3 =	vadd.f32 v56, v3  }
0x1fb: {  	v62 =	vld [tilespmem:s5+$0x480]  }
0x1fc: {  	v2 =	vadd.f32 v57, v2;
	v3 =	vadd.f32 v58, v3  }
0x1fd: {  	v63 =	vld [tilespmem:s5+$0x490]  }
0x1fe: {  	v2 =	vadd.f32 v59, v2;
	v3 =	vadd.f32 v60, v3;
	_ =	sdelay $0x1  }
0x1ff: {  	v2 =	vadd.f32 v61, v2;
	v3 =	vadd.f32 v62, v3  }
0x200: {  	s8 =	simm.s32 $0x0  }
0x201: {  	s6 =	simm.s32 $0x0;
	s7 =	simm.s32 $0x200;
	v2 =	vadd.f32 v63, v2;
	[tilespmem:s8+$0x0] =	vst v3  }
.LBB2_22:
0x202: {  	p0 =	sne.s32 s7, $0x1E00  }
0x203: {  	[tilespmem:s8+$0x10] =	vst v2;
	s5 =	sadd.s32 $0xA00, s5;
	s8 =	smov.u32 s7;
	s7 =	sadd.s32 $0x200, s7  }
0x204: {  	v2 =	vld [tilespmem:s5+$0xFFFFFB90]  }
0x205: {  	v3 =	vld [tilespmem:s5+$0xFFFFFB00]  }
0x206: {  	v4 =	vld [tilespmem:s5+$0xFFFFFB80]  }
0x207: {  	v5 =	vld [tilespmem:s5+$0xFFFFFB10]  }
0x208: {  	v6 =	vld [tilespmem:s5+$0xFFFFFC00]  }
0x209: {  	v7 =	vld [tilespmem:s5+$0xFFFFFC10]  }
0x20a: {  	v8 =	vld [tilespmem:s5+$0xFFFFFC80]  }
0x20b: {  	v3 =	vadd.f32 v4, v3;
	v4 =	vld [tilespmem:s5+$0xFFFFFC90]  }
0x20c: {  	v2 =	vadd.f32 v2, v5;
	v5 =	vld [tilespmem:s5+$0xFFFFFD00]  }
0x20d: {  	v3 =	vadd.f32 v6, v3;
	v6 =	vld [tilespmem:s5+$0xFFFFFD10]  }
0x20e: {  	v2 =	vadd.f32 v7, v2;
	v7 =	vld [tilespmem:s5+$0xFFFFFD80]  }
0x20f: {  	v3 =	vadd.f32 v8, v3;
	v8 =	vld [tilespmem:s5+$0xFFFFFD90]  }
0x210: {  	v2 =	vadd.f32 v4, v2;
	v4 =	vld [tilespmem:s5+$0xFFFFFE00]  }
0x211: {  	v3 =	vadd.f32 v5, v3;
	v5 =	vld [tilespmem:s5+$0xFFFFFE10]  }
0x212: {  	v2 =	vadd.f32 v6, v2;
	v6 =	vld [tilespmem:s5+$0xFFFFFE80]  }
0x213: {  	v3 =	vadd.f32 v7, v3;
	v7 =	vld [tilespmem:s5+$0xFFFFFE90]  }
0x214: {  	v2 =	vadd.f32 v8, v2;
	v8 =	vld [tilespmem:s5+$0xFFFFFF00]  }
0x215: {  	v3 =	vadd.f32 v4, v3;
	v4 =	vld [tilespmem:s5+$0xFFFFFF10]  }
0x216: {  	v2 =	vadd.f32 v5, v2;
	v5 =	vld [tilespmem:s5+$0xFFFFFF80]  }
0x217: {  	v3 =	vadd.f32 v6, v3;
	v6 =	vld [tilespmem:s5+$0xFFFFFF90]  }
0x218: {  	v2 =	vadd.f32 v7, v2;
	v7 =	vld [tilespmem:s5+$0x0]  }
0x219: {  	v3 =	vadd.f32 v8, v3;
	v8 =	vld [tilespmem:s5+$0x10]  }
0x21a: {  	v2 =	vadd.f32 v4, v2;
	v4 =	vld [tilespmem:s5+$0x80]  }
0x21b: {  	v3 =	vadd.f32 v5, v3;
	v5 =	vld [tilespmem:s5+$0x90]  }
0x21c: {  	v2 =	vadd.f32 v6, v2;
	v6 =	vld [tilespmem:s5+$0x100]  }
0x21d: {  	v3 =	vadd.f32 v7, v3;
	v7 =	vld [tilespmem:s5+$0x110]  }
0x21e: {  	v2 =	vadd.f32 v8, v2;
	v8 =	vld [tilespmem:s5+$0x180]  }
0x21f: {  	v3 =	vadd.f32 v4, v3;
	v4 =	vld [tilespmem:s5+$0x190]  }
0x220: {  	v2 =	vadd.f32 v5, v2;
	v5 =	vld [tilespmem:s5+$0x200]  }
0x221: {  	v3 =	vadd.f32 v6, v3;
	v6 =	vld [tilespmem:s5+$0x210]  }
0x222: {  	v2 =	vadd.f32 v7, v2;
	v7 =	vld [tilespmem:s5+$0x280]  }
0x223: {  	v3 =	vadd.f32 v8, v3;
	v8 =	vld [tilespmem:s5+$0x290]  }
0x224: {  	v2 =	vadd.f32 v4, v2;
	v4 =	vld [tilespmem:s5+$0x300]  }
0x225: {  	v3 =	vadd.f32 v5, v3;
	v5 =	vld [tilespmem:s5+$0x310]  }
0x226: {  	v2 =	vadd.f32 v6, v2;
	v6 =	vld [tilespmem:s5+$0x380]  }
0x227: {  	v3 =	vadd.f32 v7, v3;
	v7 =	vld [tilespmem:s5+$0x390]  }
0x228: {  	v2 =	vadd.f32 v8, v2;
	v8 =	vld [tilespmem:s5+$0x400]  }
0x229: {  	v3 =	vadd.f32 v4, v3;
	v4 =	vld [tilespmem:s5+$0x410]  }
0x22a: {  	v2 =	vadd.f32 v5, v2;
	v5 =	vld [tilespmem:s5+$0x480]  }
0x22b: {  	v3 =	vadd.f32 v6, v3;
	v6 =	vld [tilespmem:s5+$0x490]  }
0x22c: {  	v2 =	vadd.f32 v7, v2  }
.Ltmp10:
0x22d: {  	v3 =	vadd.f32 v8, v3;
	(pc) =	sbr.rel @p0 .LBB2_22-.Ltmp10, $4  }
0x22e: {  	v2 =	vadd.f32 v4, v2  }
0x22f: {  	v3 =	vadd.f32 v5, v3  }
0x230: {  	s8 =	sshra.s32 s8, $0x2;
	v2 =	vadd.f32 v6, v2  }
0x231: {  	[tilespmem:s8+$0x0] =	vst v3  }
0x232: {  	v3 =	vmov s6  }
0x233: {  	v3 =	vand.u32 $0x7F, v3  }
0x234: {  	v3 =	vbroadcast v3, $0x0;
	_ =	sdelay $0x1  }
0x235: {  	s5 =	simm.s32 $0x1;
	v3 =	vor.u32 v0, v3  }
0x236: {  	v4 =	vmov s5  }
0x237: {  	v4 =	vand.u32 $0x7F, v4  }
0x238: {  	v4 =	vbroadcast v4, $0x0  }
0x239: {  	[tilespmem:s8+$0x10] =	vst v2  }
0x23a: {  	v4 =	vor.u32 v0, v4;
	v6 =	vld.idx.msk [tilespmem:v3+s13+$0x0], $0xffff  }
0x23b: {  	s20 =	simm.s32 $0x2;
	v7 =	vld.idx.msk [tilespmem:v3+s1+$0x0], $0xffff  }
0x23c: {  	v2 =	vmov s20  }
0x23d: {  	v2 =	vand.u32 $0x7F, v2  }
0x23e: {  	v5 =	vbroadcast v2, $0x0  }
0x23f: {  	v2 =	vld.idx.msk [tilespmem:v4+s13+$0x0], $0xffff  }
0x240: {  	s5 =	simm.s32 $0x3;
	v5 =	vor.u32 v0, v5;
	v3 =	vimm.f32 $0.0e+00;
	v4 =	vld.idx.msk [tilespmem:v4+s1+$0x0], $0xffff;
	v6 =	vmul.f32 v7, v6  }
.LBB2_24:
0x241: {  	p0 =	sne.s32 s5, $0x1F  }
.Ltmp11:
0x242: {  	v7 =	vmov s5;
	v3 =	vadd.f32 v6, v3;
	(pc) =	sbr.rel @p0 .LBB2_24-.Ltmp11, $4  }
0x243: {  	s5 =	sadd.s32 $0x1, s5;
	v8 =	vand.u32 $0x7F, v7  }
0x244: {  	v7 =	vbroadcast v8, $0x0  }
0x245: {  	v6 =	vmov v2;
	v2 =	vld.idx.msk [tilespmem:v5+s13+$0x0], $0xffff  }
0x246: {  	v6 =	vmul.f32 v4, v6;
	v4 =	vld.idx.msk [tilespmem:v5+s1+$0x0], $0xffff;
	v5 =	vor.u32 v0, v7  }
0x247: {  	_ =	sdelay $0x3  }
0x248: {  	v7 =	vld.idx.msk [tilespmem:v5+s13+$0x0], $0xffff  }
0x249: {  	v63 =	vld.idx.msk [tilespmem:v5+s1+$0x0], $0xffff;
	_ =	sdelay $0x2  }
0x24a: {  	v3 =	vadd.f32 v6, v3;
	v2 =	vmul.f32 v4, v2;
	_ =	sdelay $0x1  }
0x24b: {  	v2 =	vadd.f32 v2, v3;
	v3 =	vmul.f32 v63, v7;
	_ =	sdelay $0x1  }
0x24c: {  	v2 =	vadd.f32 v3, v2;
	_ =	sdelay $0x1  }
0x24d: {  	s5 =	rddreg [dreg:$0x7];
	s6 =	simm.s32 $0xE00;
	s7 =	simm.s32 $0x5;
	[tilespmem:$0xFF0] =	vst v2  }
0x24e: {  	[hbm4b:s5+s1] =	stream.linear.scatter [tilespmem:s6], [sflag:$0x5], $0x200, $0x38;
	[tilespmem:$0x17100] =	vst v63  }
0x24f: {  	_ =	swait.ge [sflag:s7], $0x200  }
0x250: {  	s16 =	rddreg [dreg:$0x9]  }
0x251: {  	s20 =	rddreg [dreg:$0x8];
	s6 =	sadd.s32 $0x1, s16  }
0x252: {  	p0 =	sne.s32 s6, s20  }
.Ltmp12:
0x253: {  	_ = 	snop;
	(pc) =	sbr.rel @p0 .LBB2_1-.Ltmp12, $3  }
0x254: {  	_ =	sdelay $0x1  }
0x255: {  	[sflag:s7] =	ssyncset.done $0x0  }
0x256: {  	[sflag:s7] =	ssyncadd.s32 $0xFFFFFE00  }
0x257: {  	_ =	sfence.sel $0x180000  }
0x258: {  	[bflag:$0x0] =	sbarrier.arrive $0xFFFF  }
0x259: {  	_ =	strace $0x90000047  }
0x25a: {  	s0 =	stileid.u32;
	[bflag:$0x2] =	sbarrier.arrive $0xFFFF  }
0x25b: {  	p0 =	sne.s32 s0, $0x0;
	s0 =	rddreg [dreg:$0x4]  }
0x25c: {  	s0 =	sadd.s32 @!p0 $0x100000, s0  }
0x25d: {  	[sflag:s0] =	ssyncadd.tile.s32 @!p0 $0x1;
	_ =	shalt  }
.Lfunc_end2:
_tile_overlayer_lowered:
.L_overlay_start_2:
0x25e: {  	(tag) =	ssettag $0x2  }
0x25f: {  	s0 =	rddreg [dreg:$0x0];
	s2 =	stileid.u32  }
0x260: {  	s1 =	rddreg [dreg:$0x1];
	p0 =	sne.s32 s2, $0x0  }
0x261: {  	s3 =	rddreg [dreg:$0x2];
	[bflag:$0x3] =	sbarrier.arrive $0xFFFF;
	s2 =	simm.s32 @!p0 $0x1C05  }
0x262: {  	[timem:s3], [sflag:s2] =	dma.local @!p0 [hbm:s0], s1  }
0x263: {  	s0 =	simm.s32 @!p0 $0x5  }
0x264: {  	_ =	swait.ge @!p0 [sflag:s0], s1  }
0x265: {  	s1 =	ssub.s32 @!p0 $0x0, s1;
	[sflag:s0] =	ssyncset.done @!p0 $0x0  }
0x266: {  	[sflag:s0] =	ssyncadd.s32 @!p0 s1  }
0x267: {  	[bflag:$0x3] =	sbarrier.arrive $0xFFFF  }
0x268: {  	_ =	shalt  }

</sc_bundles>
